<compile_context>
chip_gen: v7x
topology: tpu7x:2x2x1
jax: 0.10.2.dev20260603
libtpu: 0.0.44.dev20260713+nightly
codegen_flags: <defaults>
</compile_context>

<pallas_src>
import functools

import jax
import jax.numpy as jnp
from jax import lax
from jax.experimental import pallas as pl
from jax.experimental.pallas import tpu as pltpu
from jax.experimental.pallas import tpu_sc as plsc

B, T = 1024, 200
NRG, NSG, NPC, EMB = 32, 32, 64, 128


TB = 8
GRID = T // TB


def _tc_body(r_ref, s_ref, p_ref, w_ref, emb_ref, soh_ref, poh_ref):
    tt = pl.program_id(0) % TB
    r = r_ref[tt][None, :]
    s = s_ref[tt][None, :]
    p = p_ref[tt][None, :]
    i128 = lax.broadcasted_iota(jnp.int32, (EMB, B), 0)
    tg = ((i128 == r) | (i128 == s + NRG) | (i128 == p + NRG + NSG)
          ).astype(jnp.bfloat16)
    w = w_ref[...].astype(jnp.bfloat16)
    emb_ref[0] = lax.dot_general(
        w, tg, (((1,), (0,)), ((), ())),
        preferred_element_type=jnp.float32)
    oh = tg.astype(jnp.float32)
    soh_ref[0] = oh[NRG:NRG + NSG]
    poh_ref[0] = oh[NRG + NSG:]


def _tc_emb(rT, sT, pT, W):
    idx_spec = pl.BlockSpec((TB, B), lambda i: (i // TB, 0))
    return pl.pallas_call(
        _tc_body,
        grid=(T,),
        in_specs=[idx_spec, idx_spec, idx_spec,
                  pl.BlockSpec((EMB, EMB), lambda i: (0, 0))],
        out_specs=[pl.BlockSpec((1, EMB, B), lambda i: (i, 0, 0)),
                   pl.BlockSpec((1, NSG, B), lambda i: (i, 0, 0)),
                   pl.BlockSpec((1, NPC, B), lambda i: (i, 0, 0))],
        out_shape=[jax.ShapeDtypeStruct((T, EMB, B), jnp.float32),
                   jax.ShapeDtypeStruct((T, NSG, B), jnp.float32),
                   jax.ShapeDtypeStruct((T, NPC, B), jnp.float32)],
    )(rT, sT, pT, W)



NC, NS = 2, 16
NW = NC * NS
TW = T // 8
KW = 32
NJ = B // 16

_sc_mesh = plsc.VectorSubcoreMesh(core_axis_name="c", subcore_axis_name="s")


@functools.partial(
    pl.kernel,
    out_type=jax.ShapeDtypeStruct((T, NRG * B), jnp.float32),
    mesh=_sc_mesh,
    compiler_params=pltpu.CompilerParams(needs_layout_passes=False),
    scratch_types=[pltpu.VMEM((B,), jnp.int32),
                   pltpu.VMEM((B,), jnp.int32),
                   pltpu.VMEM((B,), jnp.int32),
                   pltpu.VMEM((B,), jnp.int32),
                   pltpu.VMEM((KW * B + 16,), jnp.float32),
                   pltpu.VMEM((KW * B + 16,), jnp.float32),
                   pltpu.SemaphoreType.DMA,
                   pltpu.SemaphoreType.DMA,
                   pltpu.SemaphoreType.DMA,
                   pltpu.SemaphoreType.DMA],
)
def _sc_onehots(r1d_hbm, r_out,
                ivA, ivB, oldA, oldB, slabA, slabB, semIA, semIB, semA, semB):
    wid = lax.axis_index("s") * NC + lax.axis_index("c")
    w8 = wid < 8
    t0 = jnp.where(w8, 7 * wid, 8 + 6 * wid)
    cnt = jnp.where(w8, 7, 6)

    one = jnp.full((16,), 1.0, jnp.float32)
    zero = jnp.zeros((16,), jnp.float32)
    zero_i = jnp.zeros((16,), jnp.int32)
    i16 = lax.broadcasted_iota(jnp.int32, (16,), 0)

    def _zrow(q, c):
        slabA[pl.ds(q * 16, 16)] = zero
        slabB[pl.ds(q * 16, 16)] = zero
        return c
    lax.fori_loop(0, KW * NJ, _zrow, 0)

    def _zi(j, c):
        oldA[pl.ds(j * 16, 16)] = zero_i
        oldB[pl.ds(j * 16, 16)] = zero_i
        return c
    lax.fori_loop(0, NJ, _zi, 0)

    def run(src_hbm, dst_at, kbase, banded):
        def src_at(t):
            return src_hbm.at[pl.ds(t * B, B)]
        pltpu.async_copy(src_at(t0), ivA, semIA)

        def build(slab, iv, old):
            def inj(j, c):
                cols = i16 + j * 16
                vo = old[pl.ds(j * 16, 16)]
                v = iv[pl.ds(j * 16, 16)]
                if banded:
                    ro = vo - kbase
                    rn = v - kbase
                    fo = jnp.where((ro >= 0) & (ro < KW), ro * B + cols,
                                   KW * B + i16)
                    fn = jnp.where((rn >= 0) & (rn < KW), rn * B + cols,
                                   KW * B + i16)
                    plsc.store_scatter(slab, [fo], zero)
                    plsc.store_scatter(slab, [fn], one)
                else:
                    plsc.store_scatter(slab, [vo * B + cols], zero)
                    plsc.store_scatter(slab, [v * B + cols], one)
                old[pl.ds(j * 16, 16)] = v
                return c

            lax.fori_loop(0, NJ, inj, 0)

        def step(i, c):
            t = t0 + i

            @pl.when((i & 1) == 0)
            def _():
                pltpu.make_async_copy(src_at(t0), ivA, semIA).wait()

                @pl.when(i + 1 < cnt)
                def _():
                    pltpu.async_copy(src_at(t + 1), ivB, semIB)

                @pl.when(i >= 2)
                def _():
                    pltpu.make_async_copy(slabA.at[pl.ds(0, KW * B)], dst_at(t0), semA).wait()
                build(slabA, ivA, oldA)
                pltpu.async_copy(slabA.at[pl.ds(0, KW * B)], dst_at(t), semA)

            @pl.when((i & 1) == 1)
            def _():
                pltpu.make_async_copy(src_at(t0), ivB, semIB).wait()

                @pl.when(i + 1 < cnt)
                def _():
                    pltpu.async_copy(src_at(t + 1), ivA, semIA)

                @pl.when(i >= 2)
                def _():
                    pltpu.make_async_copy(slabB.at[pl.ds(0, KW * B)], dst_at(t0), semB).wait()
                build(slabB, ivB, oldB)
                pltpu.async_copy(slabB.at[pl.ds(0, KW * B)], dst_at(t), semB)

            return c

        lax.fori_loop(0, cnt, step, 0)
        pltpu.make_async_copy(slabA.at[pl.ds(0, KW * B)], dst_at(t0), semA).wait()
        pltpu.make_async_copy(slabB.at[pl.ds(0, KW * B)], dst_at(t0), semB).wait()

    run(r1d_hbm, lambda t: r_out.at[t], 0, False)


def kernel(rgap, sgap, pcount, W):
    rT = rgap.T
    sT = sgap.T
    pT = pcount.T
    r_oh = _sc_onehots(rT.reshape(T * B))
    emb, s_oh, p_oh = _tc_emb(rT, sT, pT, W)
    r_oh = r_oh.reshape(T, NRG, B).transpose(2, 0, 1)
    return (r_oh, s_oh.transpose(2, 0, 1), p_oh.transpose(2, 0, 1),
            emb.transpose(2, 0, 1))

# --- scband reference (transcript-rebuilt; emitter-appended) ---
"""Pipeline reference for scband-time-gap-1365799600731 (READ-ONLY COPY).

The authoritative reference and input builder live on the scoring server;
editing this copy changes nothing except your own understanding.
"""

import jax, jax.numpy as jnp
import numpy as np

NUM_RGAP = 32
NUM_SGAP = 32
NUM_PCOUNT = 64
EMB_SIZE = 128
INPUT_SIZE = NUM_RGAP + NUM_SGAP + NUM_PCOUNT


def setup_inputs(seed: int = 0) -> dict:
    key = jax.random.key(seed)
    k1, k2, k3, k4 = jax.random.split(key, 4)
    rgap = jax.random.randint(k1, (1024, 200), 0, NUM_RGAP, dtype=jnp.int64 if jax.config.jax_enable_x64 else jnp.int32).astype(jnp.int32)
    sgap = jax.random.randint(k2, (1024, 200), 0, NUM_SGAP).astype(jnp.int32)
    pcount = jax.random.randint(k3, (1024, 200), 0, NUM_PCOUNT).astype(jnp.int32)
    # nn.Linear(input_size, emb_size, bias=False) weight: [emb_size, input_size]
    bound = 1.0 / np.sqrt(INPUT_SIZE)
    W = jax.random.uniform(k4, (EMB_SIZE, INPUT_SIZE), dtype=jnp.float32, minval=-bound, maxval=bound)
    return {"rgap": rgap, "sgap": sgap, "pcount": pcount, "W": W}


def reference(rgap, sgap, pcount, W):
    # one-hot lookup via eye-matrix row gather (faithful to self.rgap_eye[rgap])
    rgap_oh = jnp.take(jnp.eye(NUM_RGAP, dtype=jnp.float32), rgap, axis=0)
    sgap_oh = jnp.take(jnp.eye(NUM_SGAP, dtype=jnp.float32), sgap, axis=0)
    pcount_oh = jnp.take(jnp.eye(NUM_PCOUNT, dtype=jnp.float32), pcount, axis=0)
    tg = jnp.concatenate((rgap_oh, sgap_oh, pcount_oh), axis=-1)
    tg_emb = tg @ W.T  # Linear(bias=False)
    return (rgap_oh, sgap_oh, pcount_oh, tg_emb)

if __name__ == "__main__":
    import jax
    _d = setup_inputs()
    print(jax.jit(kernel)(*tuple(_d.values())))

</pallas_src>

<mosaic_0001>
#map = affine_map<(d0, d1) -> (0)>
#map1 = affine_map<(d0, d1) -> (0, 0)>
module attributes {stable_mosaic.version = 14 : i64} {
  func.func @_sc_onehots(%arg0: i32, %arg1: i32, %arg2: memref<204800xi32, #tpu.memory_space<hbm>>, %arg3: memref<200x32768xf32, #tpu.memory_space<hbm>>, %arg4: memref<1024xi32, #tpu.memory_space<vmem>>, %arg5: memref<1024xi32, #tpu.memory_space<vmem>>, %arg6: memref<1024xi32, #tpu.memory_space<vmem>>, %arg7: memref<1024xi32, #tpu.memory_space<vmem>>, %arg8: memref<32784xf32, #tpu.memory_space<vmem>>, %arg9: memref<32784xf32, #tpu.memory_space<vmem>>, %arg10: memref<!tpu.dma_semaphore, #tpu.memory_space<semaphore_mem>>, %arg11: memref<!tpu.dma_semaphore, #tpu.memory_space<semaphore_mem>>, %arg12: memref<!tpu.dma_semaphore, #tpu.memory_space<semaphore_mem>>, %arg13: memref<!tpu.dma_semaphore, #tpu.memory_space<semaphore_mem>>) attributes {dimension_semantics = [#tpu.dimension_semantics<core_parallel>, #tpu.dimension_semantics<subcore_parallel>], iteration_bounds = array<i64: 2, 16>, scalar_prefetch = 0 : i64, scratch_operands = 10 : i64, tpu.core_type = #tpu.core_type<sc_vector_subcore>, window_params = [{transform_indices = #map}, {transform_indices = #map1}]} {
    %mul3A = arith.constant 2 : i32
    %mul3A_0 = arith.muli %arg1, %mul3A : i32
    %add3A = arith.addi %mul3A_0, %arg0 : i32
    %lt3A = arith.constant 8 : i32
    %lt3A_1 = arith.cmpi slt, %add3A, %lt3A : i32
    %mul3A_2 = arith.constant 7 : i32
    %mul3A_3 = arith.muli %mul3A_2, %add3A : i32
    %mul3A_4 = arith.constant 6 : i32
    %mul3A_5 = arith.muli %mul3A_4, %add3A : i32
    %add3A_6 = arith.constant 8 : i32
    %add3A_7 = arith.addi %add3A_6, %mul3A_5 : i32
    %select_n3A = arith.select %lt3A_1, %mul3A_3, %add3A_7 : i32
    %jit3A = arith.constant 7 : i32
    %jit3A_8 = arith.constant 6 : i32
    %select_n3A_9 = arith.select %lt3A_1, %jit3A, %jit3A_8 : i32
    %broadcast_in_dim3A = arith.constant 1.000000e+00 : f32
    %broadcast_in_dim3A_10 = vector.broadcast %broadcast_in_dim3A : f32 to vector<16xf32>
    %broadcast_in_dim3A_11 = arith.constant 0.000000e+00 : f32
    %broadcast_in_dim3A_12 = vector.broadcast %broadcast_in_dim3A_11 : f32 to vector<16xf32>
    %broadcast_in_dim3A_13 = arith.constant 0 : i32
    %broadcast_in_dim3A_14 = vector.broadcast %broadcast_in_dim3A_13 : i32 to vector<16xi32>
    %iota3A = tpu.iota {dimensions = array<i32: 0>} : vector<16xi32>
    %scan3A = arith.constant 0 : i32
    %scan3A_15 = arith.constant 0 : i32
    %scan3A_16 = arith.constant 2048 : i32
    %scan3A_17 = arith.addi %scan3A_15, %scan3A_16 : i32
    %scan3A_18 = arith.constant 1 : i32
    scf.for %scan3A_57 = %scan3A_15 to %scan3A_17 step %scan3A_18  : i32 {
      %mul3A_58 = arith.constant 16 : i32
      %mul3A_59 = arith.muli %scan3A_57, %mul3A_58 : i32
      %swap3A = arith.index_cast %mul3A_59 : i32 to index
      %swap3A_60 = tpu.vector_load %arg8[%swap3A] {strides = array<i32>} : memref<32784xf32, #tpu.memory_space<vmem>>, vector<16xf32>,
      tpu.vector_store %arg8[%swap3A], %broadcast_in_dim3A_12 {strides = array<i32>} : memref<32784xf32, #tpu.memory_space<vmem>>, vector<16xf32>,
      %mul3A_61 = arith.constant 16 : i32
      %mul3A_62 = arith.muli %scan3A_57, %mul3A_61 : i32
      %swap3A_63 = arith.index_cast %mul3A_62 : i32 to index
      %swap3A_64 = tpu.vector_load %arg9[%swap3A_63] {strides = array<i32>} : memref<32784xf32, #tpu.memory_space<vmem>>, vector<16xf32>,
      tpu.vector_store %arg9[%swap3A_63], %broadcast_in_dim3A_12 {strides = array<i32>} : memref<32784xf32, #tpu.memory_space<vmem>>, vector<16xf32>,
    }
    %scan3A_19 = arith.constant 2048 : i32
    %scan3A_20 = arith.constant 0 : i32
    %scan3A_21 = arith.constant 0 : i32
    %scan3A_22 = arith.constant 64 : i32
    %scan3A_23 = arith.addi %scan3A_21, %scan3A_22 : i32
    %scan3A_24 = arith.constant 1 : i32
    scf.for %scan3A_57 = %scan3A_21 to %scan3A_23 step %scan3A_24  : i32 {
      %mul3A_58 = arith.constant 16 : i32
      %mul3A_59 = arith.muli %scan3A_57, %mul3A_58 : i32
      %swap3A = arith.index_cast %mul3A_59 : i32 to index
      %swap3A_60 = tpu.vector_load %arg6[%swap3A] {strides = array<i32>} : memref<1024xi32, #tpu.memory_space<vmem>>, vector<16xi32>,
      tpu.vector_store %arg6[%swap3A], %broadcast_in_dim3A_14 {strides = array<i32>} : memref<1024xi32, #tpu.memory_space<vmem>>, vector<16xi32>,
      %mul3A_61 = arith.constant 16 : i32
      %mul3A_62 = arith.muli %scan3A_57, %mul3A_61 : i32
      %swap3A_63 = arith.index_cast %mul3A_62 : i32 to index
      %swap3A_64 = tpu.vector_load %arg7[%swap3A_63] {strides = array<i32>} : memref<1024xi32, #tpu.memory_space<vmem>>, vector<16xi32>,
      tpu.vector_store %arg7[%swap3A_63], %broadcast_in_dim3A_14 {strides = array<i32>} : memref<1024xi32, #tpu.memory_space<vmem>>, vector<16xi32>,
    }
    %scan3A_25 = arith.constant 64 : i32
    %mul3A_26 = arith.constant 1024 : i32
    %mul3A_27 = arith.muli %select_n3A, %mul3A_26 : i32
    %dma_start3A = tpu.memref_slice %arg2[%mul3A_27] : memref<204800xi32, #tpu.memory_space<hbm>> -> memref<1024xi32, #tpu.memory_space<hbm>>
    %dma_start3A_28 = tpu.memref_slice %arg2[%mul3A_27] : memref<204800xi32, #tpu.memory_space<hbm>> -> memref<1024xi32, #tpu.memory_space<hbm>>
    tpu.enqueue_dma source(%dma_start3A_28 : memref<1024xi32, #tpu.memory_space<hbm>>) target(%arg4 : memref<1024xi32, #tpu.memory_space<vmem>>) target_semaphore(%arg10 : memref<!tpu.dma_semaphore, #tpu.memory_space<semaphore_mem>>)
    %while3A = arith.constant 0 : i32
    %while3A_29 = arith.constant 0 : i32
    %while3A_30 = arith.subi %select_n3A_9, %while3A_29 : i32
    %while3A_31 = arith.addi %while3A_29, %while3A_30 : i32
    %while3A_32 = arith.constant 1 : i32
    %while3A_33 = arith.divsi %while3A_30, %while3A_32 : i32
    %while3A_34 = arith.muli %while3A_33, %while3A_32 : i32
    %while3A_35 = arith.addi %while3A_29, %while3A_34 : i32
    %while3A_36 = arith.constant 1 : i32
    scf.for %while3A_57 = %while3A_29 to %while3A_35 step %while3A_36  : i32 {
      %add3A_58 = arith.addi %select_n3A, %while3A_57 : i32
      %and3A = arith.constant 1 : i32
      %and3A_59 = arith.andi %while3A_57, %and3A : i32
      %eq3A = arith.constant 0 : i32
      %eq3A_60 = arith.cmpi eq, %and3A_59, %eq3A : i32
      %convert_element_type3A = arith.extui %eq3A_60 : i1 to i32
      %cond3A = arith.constant 0 : i32
      %cond3A_61 = arith.cmpi ne, %convert_element_type3A, %cond3A : i32
      scf.if %cond3A_61 {
        %mul3A_69 = arith.constant 1024 : i32
        %mul3A_70 = arith.muli %select_n3A, %mul3A_69 : i32
        %dma_wait3A_71 = tpu.memref_slice %arg2[%mul3A_70] : memref<204800xi32, #tpu.memory_space<hbm>> -> memref<1024xi32, #tpu.memory_space<hbm>>
        %dma_wait3A_72 = tpu.memref_slice %arg2[%mul3A_70] : memref<204800xi32, #tpu.memory_space<hbm>> -> memref<1024xi32, #tpu.memory_space<hbm>>
        tpu.wait_dma2 semaphore(%arg10 : memref<!tpu.dma_semaphore, #tpu.memory_space<semaphore_mem>>) src(%dma_wait3A_72 : memref<1024xi32, #tpu.memory_space<hbm>>) dst(%arg4 : memref<1024xi32, #tpu.memory_space<vmem>>)
        %add3A_73 = arith.constant 1 : i32
        %add3A_74 = arith.addi %while3A_57, %add3A_73 : i32
        %lt3A_75 = arith.cmpi slt, %add3A_74, %select_n3A_9 : i32
        %convert_element_type3A_76 = arith.extui %lt3A_75 : i1 to i32
        %cond3A_77 = arith.constant 0 : i32
        %cond3A_78 = arith.cmpi ne, %convert_element_type3A_76, %cond3A_77 : i32
        scf.if %cond3A_78 {
          %add3A_99 = arith.constant 1 : i32
          %add3A_100 = arith.addi %add3A_58, %add3A_99 : i32
          %mul3A_101 = arith.constant 1024 : i32
          %mul3A_102 = arith.muli %add3A_100, %mul3A_101 : i32
          %dma_start3A_103 = tpu.memref_slice %arg2[%mul3A_102] : memref<204800xi32, #tpu.memory_space<hbm>> -> memref<1024xi32, #tpu.memory_space<hbm>>
          %dma_start3A_104 = tpu.memref_slice %arg2[%mul3A_102] : memref<204800xi32, #tpu.memory_space<hbm>> -> memref<1024xi32, #tpu.memory_space<hbm>>
          tpu.enqueue_dma source(%dma_start3A_104 : memref<1024xi32, #tpu.memory_space<hbm>>) target(%arg5 : memref<1024xi32, #tpu.memory_space<vmem>>) target_semaphore(%arg11 : memref<!tpu.dma_semaphore, #tpu.memory_space<semaphore_mem>>)
        } else {
        }
        %ge3A = arith.constant 2 : i32
        %ge3A_79 = arith.cmpi sge, %while3A_57, %ge3A : i32
        %convert_element_type3A_80 = arith.extui %ge3A_79 : i1 to i32
        %cond3A_81 = arith.constant 0 : i32
        %cond3A_82 = arith.cmpi ne, %convert_element_type3A_80, %cond3A_81 : i32
        scf.if %cond3A_82 {
          %dma_wait3A_99 = arith.constant 0 : i32
          %dma_wait3A_100 = tpu.memref_slice %arg8[%dma_wait3A_99] : memref<32784xf32, #tpu.memory_space<vmem>> -> memref<32768xf32, #tpu.memory_space<vmem>>
          %dma_wait3A_101 = arith.constant 0 : i32
          %dma_wait3A_102 = tpu.memref_slice %arg3[%select_n3A, %dma_wait3A_101] : memref<200x32768xf32, #tpu.memory_space<hbm>> -> memref<1x32768xf32, #tpu.memory_space<hbm>>
          %dma_wait3A_103 = tpu.memref_squeeze %dma_wait3A_102 : memref<1x32768xf32, #tpu.memory_space<hbm>> -> memref<32768xf32, #tpu.memory_space<hbm>>
          %dma_wait3A_104 = arith.constant 0 : i32
          %dma_wait3A_105 = tpu.memref_slice %arg3[%select_n3A, %dma_wait3A_104] : memref<200x32768xf32, #tpu.memory_space<hbm>> -> memref<1x32768xf32, #tpu.memory_space<hbm>>
          %dma_wait3A_106 = tpu.memref_squeeze %dma_wait3A_105 : memref<1x32768xf32, #tpu.memory_space<hbm>> -> memref<32768xf32, #tpu.memory_space<hbm>>
          %dma_wait3A_107 = arith.constant 0 : i32
          %dma_wait3A_108 = tpu.memref_slice %arg8[%dma_wait3A_107] : memref<32784xf32, #tpu.memory_space<vmem>> -> memref<32768xf32, #tpu.memory_space<vmem>>
          tpu.wait_dma2 semaphore(%arg12 : memref<!tpu.dma_semaphore, #tpu.memory_space<semaphore_mem>>) src(%dma_wait3A_108 : memref<32768xf32, #tpu.memory_space<vmem>>) dst(%dma_wait3A_106 : memref<32768xf32, #tpu.memory_space<hbm>>)
        } else {
        }
        %scan3A_83 = arith.constant 0 : i32
        %scan3A_84 = arith.constant 0 : i32
        %scan3A_85 = arith.constant 64 : i32
        %scan3A_86 = arith.addi %scan3A_84, %scan3A_85 : i32
        %scan3A_87 = arith.constant 1 : i32
        scf.for %scan3A_99 = %scan3A_84 to %scan3A_86 step %scan3A_87  : i32 {
          %mul3A_100 = arith.constant 16 : i32
          %mul3A_101 = arith.muli %scan3A_99, %mul3A_100 : i32
          %add3A_102 = vector.broadcast %mul3A_101 : i32 to vector<16xi32>
          %add3A_103 = arith.addi %iota3A, %add3A_102 : vector<16xi32>
          %mul3A_104 = arith.constant 16 : i32
          %mul3A_105 = arith.muli %scan3A_99, %mul3A_104 : i32
          %get3A = arith.index_cast %mul3A_105 : i32 to index
          %get3A_106 = tpu.vector_load %arg6[%get3A] {strides = array<i32>} : memref<1024xi32, #tpu.memory_space<vmem>>, vector<16xi32>,
          %mul3A_107 = arith.constant 16 : i32
          %mul3A_108 = arith.muli %scan3A_99, %mul3A_107 : i32
          %get3A_109 = arith.index_cast %mul3A_108 : i32 to index
          %get3A_110 = tpu.vector_load %arg4[%get3A_109] {strides = array<i32>} : memref<1024xi32, #tpu.memory_space<vmem>>, vector<16xi32>,
          %mul3A_111 = arith.constant 1024 : i32
          %mul3A_112 = vector.broadcast %mul3A_111 : i32 to vector<16xi32>
          %mul3A_113 = arith.muli %get3A_106, %mul3A_112 : vector<16xi32>
          %add3A_114 = arith.addi %mul3A_113, %add3A_103 : vector<16xi32>
          tpu.vector_store_idx %arg8[%add3A_114], %broadcast_in_dim3A_12 : memref<32784xf32, #tpu.memory_space<vmem>>[vector<16xi32>], vector<16xf32>,
          %mul3A_115 = arith.constant 1024 : i32
          %mul3A_116 = vector.broadcast %mul3A_115 : i32 to vector<16xi32>
          %mul3A_117 = arith.muli %get3A_110, %mul3A_116 : vector<16xi32>
          %add3A_118 = arith.addi %mul3A_117, %add3A_103 : vector<16xi32>
          tpu.vector_store_idx %arg8[%add3A_118], %broadcast_in_dim3A_10 : memref<32784xf32, #tpu.memory_space<vmem>>[vector<16xi32>], vector<16xf32>,
          %mul3A_119 = arith.constant 16 : i32
          %mul3A_120 = arith.muli %scan3A_99, %mul3A_119 : i32
          %swap3A = arith.index_cast %mul3A_120 : i32 to index
          %swap3A_121 = tpu.vector_load %arg6[%swap3A] {strides = array<i32>} : memref<1024xi32, #tpu.memory_space<vmem>>, vector<16xi32>,
          tpu.vector_store %arg6[%swap3A], %get3A_110 {strides = array<i32>} : memref<1024xi32, #tpu.memory_space<vmem>>, vector<16xi32>,
        }
        %scan3A_88 = arith.constant 64 : i32
        %dma_start3A_89 = arith.constant 0 : i32
        %dma_start3A_90 = tpu.memref_slice %arg8[%dma_start3A_89] : memref<32784xf32, #tpu.memory_space<vmem>> -> memref<32768xf32, #tpu.memory_space<vmem>>
        %dma_start3A_91 = arith.constant 0 : i32
        %dma_start3A_92 = tpu.memref_slice %arg3[%add3A_58, %dma_start3A_91] : memref<200x32768xf32, #tpu.memory_space<hbm>> -> memref<1x32768xf32, #tpu.memory_space<hbm>>
        %dma_start3A_93 = tpu.memref_squeeze %dma_start3A_92 : memref<1x32768xf32, #tpu.memory_space<hbm>> -> memref<32768xf32, #tpu.memory_space<hbm>>
        %dma_start3A_94 = arith.constant 0 : i32
        %dma_start3A_95 = tpu.memref_slice %arg3[%add3A_58, %dma_start3A_94] : memref<200x32768xf32, #tpu.memory_space<hbm>> -> memref<1x32768xf32, #tpu.memory_space<hbm>>
        %dma_start3A_96 = tpu.memref_squeeze %dma_start3A_95 : memref<1x32768xf32, #tpu.memory_space<hbm>> -> memref<32768xf32, #tpu.memory_space<hbm>>
        %dma_start3A_97 = arith.constant 0 : i32
        %dma_start3A_98 = tpu.memref_slice %arg8[%dma_start3A_97] : memref<32784xf32, #tpu.memory_space<vmem>> -> memref<32768xf32, #tpu.memory_space<vmem>>
        tpu.enqueue_dma source(%dma_start3A_98 : memref<32768xf32, #tpu.memory_space<vmem>>) target(%dma_start3A_96 : memref<32768xf32, #tpu.memory_space<hbm>>) target_semaphore(%arg12 : memref<!tpu.dma_semaphore, #tpu.memory_space<semaphore_mem>>)
      } else {
      }
      %and3A_62 = arith.constant 1 : i32
      %and3A_63 = arith.andi %while3A_57, %and3A_62 : i32
      %eq3A_64 = arith.constant 1 : i32
      %eq3A_65 = arith.cmpi eq, %and3A_63, %eq3A_64 : i32
      %convert_element_type3A_66 = arith.extui %eq3A_65 : i1 to i32
      %cond3A_67 = arith.constant 0 : i32
      %cond3A_68 = arith.cmpi ne, %convert_element_type3A_66, %cond3A_67 : i32
      scf.if %cond3A_68 {
        %mul3A_69 = arith.constant 1024 : i32
        %mul3A_70 = arith.muli %select_n3A, %mul3A_69 : i32
        %dma_wait3A_71 = tpu.memref_slice %arg2[%mul3A_70] : memref<204800xi32, #tpu.memory_space<hbm>> -> memref<1024xi32, #tpu.memory_space<hbm>>
        %dma_wait3A_72 = tpu.memref_slice %arg2[%mul3A_70] : memref<204800xi32, #tpu.memory_space<hbm>> -> memref<1024xi32, #tpu.memory_space<hbm>>
        tpu.wait_dma2 semaphore(%arg11 : memref<!tpu.dma_semaphore, #tpu.memory_space<semaphore_mem>>) src(%dma_wait3A_72 : memref<1024xi32, #tpu.memory_space<hbm>>) dst(%arg5 : memref<1024xi32, #tpu.memory_space<vmem>>)
        %add3A_73 = arith.constant 1 : i32
        %add3A_74 = arith.addi %while3A_57, %add3A_73 : i32
        %lt3A_75 = arith.cmpi slt, %add3A_74, %select_n3A_9 : i32
        %convert_element_type3A_76 = arith.extui %lt3A_75 : i1 to i32
        %cond3A_77 = arith.constant 0 : i32
        %cond3A_78 = arith.cmpi ne, %convert_element_type3A_76, %cond3A_77 : i32
        scf.if %cond3A_78 {
          %add3A_99 = arith.constant 1 : i32
          %add3A_100 = arith.addi %add3A_58, %add3A_99 : i32
          %mul3A_101 = arith.constant 1024 : i32
          %mul3A_102 = arith.muli %add3A_100, %mul3A_101 : i32
          %dma_start3A_103 = tpu.memref_slice %arg2[%mul3A_102] : memref<204800xi32, #tpu.memory_space<hbm>> -> memref<1024xi32, #tpu.memory_space<hbm>>
          %dma_start3A_104 = tpu.memref_slice %arg2[%mul3A_102] : memref<204800xi32, #tpu.memory_space<hbm>> -> memref<1024xi32, #tpu.memory_space<hbm>>
          tpu.enqueue_dma source(%dma_start3A_104 : memref<1024xi32, #tpu.memory_space<hbm>>) target(%arg4 : memref<1024xi32, #tpu.memory_space<vmem>>) target_semaphore(%arg10 : memref<!tpu.dma_semaphore, #tpu.memory_space<semaphore_mem>>)
        } else {
        }
        %ge3A = arith.constant 2 : i32
        %ge3A_79 = arith.cmpi sge, %while3A_57, %ge3A : i32
        %convert_element_type3A_80 = arith.extui %ge3A_79 : i1 to i32
        %cond3A_81 = arith.constant 0 : i32
        %cond3A_82 = arith.cmpi ne, %convert_element_type3A_80, %cond3A_81 : i32
        scf.if %cond3A_82 {
          %dma_wait3A_99 = arith.constant 0 : i32
          %dma_wait3A_100 = tpu.memref_slice %arg9[%dma_wait3A_99] : memref<32784xf32, #tpu.memory_space<vmem>> -> memref<32768xf32, #tpu.memory_space<vmem>>
          %dma_wait3A_101 = arith.constant 0 : i32
          %dma_wait3A_102 = tpu.memref_slice %arg3[%select_n3A, %dma_wait3A_101] : memref<200x32768xf32, #tpu.memory_space<hbm>> -> memref<1x32768xf32, #tpu.memory_space<hbm>>
          %dma_wait3A_103 = tpu.memref_squeeze %dma_wait3A_102 : memref<1x32768xf32, #tpu.memory_space<hbm>> -> memref<32768xf32, #tpu.memory_space<hbm>>
          %dma_wait3A_104 = arith.constant 0 : i32
          %dma_wait3A_105 = tpu.memref_slice %arg3[%select_n3A, %dma_wait3A_104] : memref<200x32768xf32, #tpu.memory_space<hbm>> -> memref<1x32768xf32, #tpu.memory_space<hbm>>
          %dma_wait3A_106 = tpu.memref_squeeze %dma_wait3A_105 : memref<1x32768xf32, #tpu.memory_space<hbm>> -> memref<32768xf32, #tpu.memory_space<hbm>>
          %dma_wait3A_107 = arith.constant 0 : i32
          %dma_wait3A_108 = tpu.memref_slice %arg9[%dma_wait3A_107] : memref<32784xf32, #tpu.memory_space<vmem>> -> memref<32768xf32, #tpu.memory_space<vmem>>
          tpu.wait_dma2 semaphore(%arg13 : memref<!tpu.dma_semaphore, #tpu.memory_space<semaphore_mem>>) src(%dma_wait3A_108 : memref<32768xf32, #tpu.memory_space<vmem>>) dst(%dma_wait3A_106 : memref<32768xf32, #tpu.memory_space<hbm>>)
        } else {
        }
        %scan3A_83 = arith.constant 0 : i32
        %scan3A_84 = arith.constant 0 : i32
        %scan3A_85 = arith.constant 64 : i32
        %scan3A_86 = arith.addi %scan3A_84, %scan3A_85 : i32
        %scan3A_87 = arith.constant 1 : i32
        scf.for %scan3A_99 = %scan3A_84 to %scan3A_86 step %scan3A_87  : i32 {
          %mul3A_100 = arith.constant 16 : i32
          %mul3A_101 = arith.muli %scan3A_99, %mul3A_100 : i32
          %add3A_102 = vector.broadcast %mul3A_101 : i32 to vector<16xi32>
          %add3A_103 = arith.addi %iota3A, %add3A_102 : vector<16xi32>
          %mul3A_104 = arith.constant 16 : i32
          %mul3A_105 = arith.muli %scan3A_99, %mul3A_104 : i32
          %get3A = arith.index_cast %mul3A_105 : i32 to index
          %get3A_106 = tpu.vector_load %arg7[%get3A] {strides = array<i32>} : memref<1024xi32, #tpu.memory_space<vmem>>, vector<16xi32>,
          %mul3A_107 = arith.constant 16 : i32
          %mul3A_108 = arith.muli %scan3A_99, %mul3A_107 : i32
          %get3A_109 = arith.index_cast %mul3A_108 : i32 to index
          %get3A_110 = tpu.vector_load %arg5[%get3A_109] {strides = array<i32>} : memref<1024xi32, #tpu.memory_space<vmem>>, vector<16xi32>,
          %mul3A_111 = arith.constant 1024 : i32
          %mul3A_112 = vector.broadcast %mul3A_111 : i32 to vector<16xi32>
          %mul3A_113 = arith.muli %get3A_106, %mul3A_112 : vector<16xi32>
          %add3A_114 = arith.addi %mul3A_113, %add3A_103 : vector<16xi32>
          tpu.vector_store_idx %arg9[%add3A_114], %broadcast_in_dim3A_12 : memref<32784xf32, #tpu.memory_space<vmem>>[vector<16xi32>], vector<16xf32>,
          %mul3A_115 = arith.constant 1024 : i32
          %mul3A_116 = vector.broadcast %mul3A_115 : i32 to vector<16xi32>
          %mul3A_117 = arith.muli %get3A_110, %mul3A_116 : vector<16xi32>
          %add3A_118 = arith.addi %mul3A_117, %add3A_103 : vector<16xi32>
          tpu.vector_store_idx %arg9[%add3A_118], %broadcast_in_dim3A_10 : memref<32784xf32, #tpu.memory_space<vmem>>[vector<16xi32>], vector<16xf32>,
          %mul3A_119 = arith.constant 16 : i32
          %mul3A_120 = arith.muli %scan3A_99, %mul3A_119 : i32
          %swap3A = arith.index_cast %mul3A_120 : i32 to index
          %swap3A_121 = tpu.vector_load %arg7[%swap3A] {strides = array<i32>} : memref<1024xi32, #tpu.memory_space<vmem>>, vector<16xi32>,
          tpu.vector_store %arg7[%swap3A], %get3A_110 {strides = array<i32>} : memref<1024xi32, #tpu.memory_space<vmem>>, vector<16xi32>,
        }
        %scan3A_88 = arith.constant 64 : i32
        %dma_start3A_89 = arith.constant 0 : i32
        %dma_start3A_90 = tpu.memref_slice %arg9[%dma_start3A_89] : memref<32784xf32, #tpu.memory_space<vmem>> -> memref<32768xf32, #tpu.memory_space<vmem>>
        %dma_start3A_91 = arith.constant 0 : i32
        %dma_start3A_92 = tpu.memref_slice %arg3[%add3A_58, %dma_start3A_91] : memref<200x32768xf32, #tpu.memory_space<hbm>> -> memref<1x32768xf32, #tpu.memory_space<hbm>>
        %dma_start3A_93 = tpu.memref_squeeze %dma_start3A_92 : memref<1x32768xf32, #tpu.memory_space<hbm>> -> memref<32768xf32, #tpu.memory_space<hbm>>
        %dma_start3A_94 = arith.constant 0 : i32
        %dma_start3A_95 = tpu.memref_slice %arg3[%add3A_58, %dma_start3A_94] : memref<200x32768xf32, #tpu.memory_space<hbm>> -> memref<1x32768xf32, #tpu.memory_space<hbm>>
        %dma_start3A_96 = tpu.memref_squeeze %dma_start3A_95 : memref<1x32768xf32, #tpu.memory_space<hbm>> -> memref<32768xf32, #tpu.memory_space<hbm>>
        %dma_start3A_97 = arith.constant 0 : i32
        %dma_start3A_98 = tpu.memref_slice %arg9[%dma_start3A_97] : memref<32784xf32, #tpu.memory_space<vmem>> -> memref<32768xf32, #tpu.memory_space<vmem>>
        tpu.enqueue_dma source(%dma_start3A_98 : memref<32768xf32, #tpu.memory_space<vmem>>) target(%dma_start3A_96 : memref<32768xf32, #tpu.memory_space<hbm>>) target_semaphore(%arg13 : memref<!tpu.dma_semaphore, #tpu.memory_space<semaphore_mem>>)
      } else {
      }
    }
    %while3A_37 = arith.constant 1 : i32
    scf.for %while3A_57 = %while3A_35 to %while3A_31 step %while3A_37  : i32 {
      %add3A_58 = arith.addi %select_n3A, %while3A_57 : i32
      %and3A = arith.constant 1 : i32
      %and3A_59 = arith.andi %while3A_57, %and3A : i32
      %eq3A = arith.constant 0 : i32
      %eq3A_60 = arith.cmpi eq, %and3A_59, %eq3A : i32
      %convert_element_type3A = arith.extui %eq3A_60 : i1 to i32
      %cond3A = arith.constant 0 : i32
      %cond3A_61 = arith.cmpi ne, %convert_element_type3A, %cond3A : i32
      scf.if %cond3A_61 {
        %mul3A_69 = arith.constant 1024 : i32
        %mul3A_70 = arith.muli %select_n3A, %mul3A_69 : i32
        %dma_wait3A_71 = tpu.memref_slice %arg2[%mul3A_70] : memref<204800xi32, #tpu.memory_space<hbm>> -> memref<1024xi32, #tpu.memory_space<hbm>>
        %dma_wait3A_72 = tpu.memref_slice %arg2[%mul3A_70] : memref<204800xi32, #tpu.memory_space<hbm>> -> memref<1024xi32, #tpu.memory_space<hbm>>
        tpu.wait_dma2 semaphore(%arg10 : memref<!tpu.dma_semaphore, #tpu.memory_space<semaphore_mem>>) src(%dma_wait3A_72 : memref<1024xi32, #tpu.memory_space<hbm>>) dst(%arg4 : memref<1024xi32, #tpu.memory_space<vmem>>)
        %add3A_73 = arith.constant 1 : i32
        %add3A_74 = arith.addi %while3A_57, %add3A_73 : i32
        %lt3A_75 = arith.cmpi slt, %add3A_74, %select_n3A_9 : i32
        %convert_element_type3A_76 = arith.extui %lt3A_75 : i1 to i32
        %cond3A_77 = arith.constant 0 : i32
        %cond3A_78 = arith.cmpi ne, %convert_element_type3A_76, %cond3A_77 : i32
        scf.if %cond3A_78 {
          %add3A_99 = arith.constant 1 : i32
          %add3A_100 = arith.addi %add3A_58, %add3A_99 : i32
          %mul3A_101 = arith.constant 1024 : i32
          %mul3A_102 = arith.muli %add3A_100, %mul3A_101 : i32
          %dma_start3A_103 = tpu.memref_slice %arg2[%mul3A_102] : memref<204800xi32, #tpu.memory_space<hbm>> -> memref<1024xi32, #tpu.memory_space<hbm>>
          %dma_start3A_104 = tpu.memref_slice %arg2[%mul3A_102] : memref<204800xi32, #tpu.memory_space<hbm>> -> memref<1024xi32, #tpu.memory_space<hbm>>
          tpu.enqueue_dma source(%dma_start3A_104 : memref<1024xi32, #tpu.memory_space<hbm>>) target(%arg5 : memref<1024xi32, #tpu.memory_space<vmem>>) target_semaphore(%arg11 : memref<!tpu.dma_semaphore, #tpu.memory_space<semaphore_mem>>)
        } else {
        }
        %ge3A = arith.constant 2 : i32
        %ge3A_79 = arith.cmpi sge, %while3A_57, %ge3A : i32
        %convert_element_type3A_80 = arith.extui %ge3A_79 : i1 to i32
        %cond3A_81 = arith.constant 0 : i32
        %cond3A_82 = arith.cmpi ne, %convert_element_type3A_80, %cond3A_81 : i32
        scf.if %cond3A_82 {
          %dma_wait3A_99 = arith.constant 0 : i32
          %dma_wait3A_100 = tpu.memref_slice %arg8[%dma_wait3A_99] : memref<32784xf32, #tpu.memory_space<vmem>> -> memref<32768xf32, #tpu.memory_space<vmem>>
          %dma_wait3A_101 = arith.constant 0 : i32
          %dma_wait3A_102 = tpu.memref_slice %arg3[%select_n3A, %dma_wait3A_101] : memref<200x32768xf32, #tpu.memory_space<hbm>> -> memref<1x32768xf32, #tpu.memory_space<hbm>>
          %dma_wait3A_103 = tpu.memref_squeeze %dma_wait3A_102 : memref<1x32768xf32, #tpu.memory_space<hbm>> -> memref<32768xf32, #tpu.memory_space<hbm>>
          %dma_wait3A_104 = arith.constant 0 : i32
          %dma_wait3A_105 = tpu.memref_slice %arg3[%select_n3A, %dma_wait3A_104] : memref<200x32768xf32, #tpu.memory_space<hbm>> -> memref<1x32768xf32, #tpu.memory_space<hbm>>
          %dma_wait3A_106 = tpu.memref_squeeze %dma_wait3A_105 : memref<1x32768xf32, #tpu.memory_space<hbm>> -> memref<32768xf32, #tpu.memory_space<hbm>>
          %dma_wait3A_107 = arith.constant 0 : i32
          %dma_wait3A_108 = tpu.memref_slice %arg8[%dma_wait3A_107] : memref<32784xf32, #tpu.memory_space<vmem>> -> memref<32768xf32, #tpu.memory_space<vmem>>
          tpu.wait_dma2 semaphore(%arg12 : memref<!tpu.dma_semaphore, #tpu.memory_space<semaphore_mem>>) src(%dma_wait3A_108 : memref<32768xf32, #tpu.memory_space<vmem>>) dst(%dma_wait3A_106 : memref<32768xf32, #tpu.memory_space<hbm>>)
        } else {
        }
        %scan3A_83 = arith.constant 0 : i32
        %scan3A_84 = arith.constant 0 : i32
        %scan3A_85 = arith.constant 64 : i32
        %scan3A_86 = arith.addi %scan3A_84, %scan3A_85 : i32
        %scan3A_87 = arith.constant 1 : i32
        scf.for %scan3A_99 = %scan3A_84 to %scan3A_86 step %scan3A_87  : i32 {
          %mul3A_100 = arith.constant 16 : i32
          %mul3A_101 = arith.muli %scan3A_99, %mul3A_100 : i32
          %add3A_102 = vector.broadcast %mul3A_101 : i32 to vector<16xi32>
          %add3A_103 = arith.addi %iota3A, %add3A_102 : vector<16xi32>
          %mul3A_104 = arith.constant 16 : i32
          %mul3A_105 = arith.muli %scan3A_99, %mul3A_104 : i32
          %get3A = arith.index_cast %mul3A_105 : i32 to index
          %get3A_106 = tpu.vector_load %arg6[%get3A] {strides = array<i32>} : memref<1024xi32, #tpu.memory_space<vmem>>, vector<16xi32>,
          %mul3A_107 = arith.constant 16 : i32
          %mul3A_108 = arith.muli %scan3A_99, %mul3A_107 : i32
          %get3A_109 = arith.index_cast %mul3A_108 : i32 to index
          %get3A_110 = tpu.vector_load %arg4[%get3A_109] {strides = array<i32>} : memref<1024xi32, #tpu.memory_space<vmem>>, vector<16xi32>,
          %mul3A_111 = arith.constant 1024 : i32
          %mul3A_112 = vector.broadcast %mul3A_111 : i32 to vector<16xi32>
          %mul3A_113 = arith.muli %get3A_106, %mul3A_112 : vector<16xi32>
          %add3A_114 = arith.addi %mul3A_113, %add3A_103 : vector<16xi32>
          tpu.vector_store_idx %arg8[%add3A_114], %broadcast_in_dim3A_12 : memref<32784xf32, #tpu.memory_space<vmem>>[vector<16xi32>], vector<16xf32>,
          %mul3A_115 = arith.constant 1024 : i32
          %mul3A_116 = vector.broadcast %mul3A_115 : i32 to vector<16xi32>
          %mul3A_117 = arith.muli %get3A_110, %mul3A_116 : vector<16xi32>
          %add3A_118 = arith.addi %mul3A_117, %add3A_103 : vector<16xi32>
          tpu.vector_store_idx %arg8[%add3A_118], %broadcast_in_dim3A_10 : memref<32784xf32, #tpu.memory_space<vmem>>[vector<16xi32>], vector<16xf32>,
          %mul3A_119 = arith.constant 16 : i32
          %mul3A_120 = arith.muli %scan3A_99, %mul3A_119 : i32
          %swap3A = arith.index_cast %mul3A_120 : i32 to index
          %swap3A_121 = tpu.vector_load %arg6[%swap3A] {strides = array<i32>} : memref<1024xi32, #tpu.memory_space<vmem>>, vector<16xi32>,
          tpu.vector_store %arg6[%swap3A], %get3A_110 {strides = array<i32>} : memref<1024xi32, #tpu.memory_space<vmem>>, vector<16xi32>,
        }
        %scan3A_88 = arith.constant 64 : i32
        %dma_start3A_89 = arith.constant 0 : i32
        %dma_start3A_90 = tpu.memref_slice %arg8[%dma_start3A_89] : memref<32784xf32, #tpu.memory_space<vmem>> -> memref<32768xf32, #tpu.memory_space<vmem>>
        %dma_start3A_91 = arith.constant 0 : i32
        %dma_start3A_92 = tpu.memref_slice %arg3[%add3A_58, %dma_start3A_91] : memref<200x32768xf32, #tpu.memory_space<hbm>> -> memref<1x32768xf32, #tpu.memory_space<hbm>>
        %dma_start3A_93 = tpu.memref_squeeze %dma_start3A_92 : memref<1x32768xf32, #tpu.memory_space<hbm>> -> memref<32768xf32, #tpu.memory_space<hbm>>
        %dma_start3A_94 = arith.constant 0 : i32
        %dma_start3A_95 = tpu.memref_slice %arg3[%add3A_58, %dma_start3A_94] : memref<200x32768xf32, #tpu.memory_space<hbm>> -> memref<1x32768xf32, #tpu.memory_space<hbm>>
        %dma_start3A_96 = tpu.memref_squeeze %dma_start3A_95 : memref<1x32768xf32, #tpu.memory_space<hbm>> -> memref<32768xf32, #tpu.memory_space<hbm>>
        %dma_start3A_97 = arith.constant 0 : i32
        %dma_start3A_98 = tpu.memref_slice %arg8[%dma_start3A_97] : memref<32784xf32, #tpu.memory_space<vmem>> -> memref<32768xf32, #tpu.memory_space<vmem>>
        tpu.enqueue_dma source(%dma_start3A_98 : memref<32768xf32, #tpu.memory_space<vmem>>) target(%dma_start3A_96 : memref<32768xf32, #tpu.memory_space<hbm>>) target_semaphore(%arg12 : memref<!tpu.dma_semaphore, #tpu.memory_space<semaphore_mem>>)
      } else {
      }
      %and3A_62 = arith.constant 1 : i32
      %and3A_63 = arith.andi %while3A_57, %and3A_62 : i32
      %eq3A_64 = arith.constant 1 : i32
      %eq3A_65 = arith.cmpi eq, %and3A_63, %eq3A_64 : i32
      %convert_element_type3A_66 = arith.extui %eq3A_65 : i1 to i32
      %cond3A_67 = arith.constant 0 : i32
      %cond3A_68 = arith.cmpi ne, %convert_element_type3A_66, %cond3A_67 : i32
      scf.if %cond3A_68 {
        %mul3A_69 = arith.constant 1024 : i32
        %mul3A_70 = arith.muli %select_n3A, %mul3A_69 : i32
        %dma_wait3A_71 = tpu.memref_slice %arg2[%mul3A_70] : memref<204800xi32, #tpu.memory_space<hbm>> -> memref<1024xi32, #tpu.memory_space<hbm>>
        %dma_wait3A_72 = tpu.memref_slice %arg2[%mul3A_70] : memref<204800xi32, #tpu.memory_space<hbm>> -> memref<1024xi32, #tpu.memory_space<hbm>>
        tpu.wait_dma2 semaphore(%arg11 : memref<!tpu.dma_semaphore, #tpu.memory_space<semaphore_mem>>) src(%dma_wait3A_72 : memref<1024xi32, #tpu.memory_space<hbm>>) dst(%arg5 : memref<1024xi32, #tpu.memory_space<vmem>>)
        %add3A_73 = arith.constant 1 : i32
        %add3A_74 = arith.addi %while3A_57, %add3A_73 : i32
        %lt3A_75 = arith.cmpi slt, %add3A_74, %select_n3A_9 : i32
        %convert_element_type3A_76 = arith.extui %lt3A_75 : i1 to i32
        %cond3A_77 = arith.constant 0 : i32
        %cond3A_78 = arith.cmpi ne, %convert_element_type3A_76, %cond3A_77 : i32
        scf.if %cond3A_78 {
          %add3A_99 = arith.constant 1 : i32
          %add3A_100 = arith.addi %add3A_58, %add3A_99 : i32
          %mul3A_101 = arith.constant 1024 : i32
          %mul3A_102 = arith.muli %add3A_100, %mul3A_101 : i32
          %dma_start3A_103 = tpu.memref_slice %arg2[%mul3A_102] : memref<204800xi32, #tpu.memory_space<hbm>> -> memref<1024xi32, #tpu.memory_space<hbm>>
          %dma_start3A_104 = tpu.memref_slice %arg2[%mul3A_102] : memref<204800xi32, #tpu.memory_space<hbm>> -> memref<1024xi32, #tpu.memory_space<hbm>>
          tpu.enqueue_dma source(%dma_start3A_104 : memref<1024xi32, #tpu.memory_space<hbm>>) target(%arg4 : memref<1024xi32, #tpu.memory_space<vmem>>) target_semaphore(%arg10 : memref<!tpu.dma_semaphore, #tpu.memory_space<semaphore_mem>>)
        } else {
        }
        %ge3A = arith.constant 2 : i32
        %ge3A_79 = arith.cmpi sge, %while3A_57, %ge3A : i32
        %convert_element_type3A_80 = arith.extui %ge3A_79 : i1 to i32
        %cond3A_81 = arith.constant 0 : i32
        %cond3A_82 = arith.cmpi ne, %convert_element_type3A_80, %cond3A_81 : i32
        scf.if %cond3A_82 {
          %dma_wait3A_99 = arith.constant 0 : i32
          %dma_wait3A_100 = tpu.memref_slice %arg9[%dma_wait3A_99] : memref<32784xf32, #tpu.memory_space<vmem>> -> memref<32768xf32, #tpu.memory_space<vmem>>
          %dma_wait3A_101 = arith.constant 0 : i32
          %dma_wait3A_102 = tpu.memref_slice %arg3[%select_n3A, %dma_wait3A_101] : memref<200x32768xf32, #tpu.memory_space<hbm>> -> memref<1x32768xf32, #tpu.memory_space<hbm>>
          %dma_wait3A_103 = tpu.memref_squeeze %dma_wait3A_102 : memref<1x32768xf32, #tpu.memory_space<hbm>> -> memref<32768xf32, #tpu.memory_space<hbm>>
          %dma_wait3A_104 = arith.constant 0 : i32
          %dma_wait3A_105 = tpu.memref_slice %arg3[%select_n3A, %dma_wait3A_104] : memref<200x32768xf32, #tpu.memory_space<hbm>> -> memref<1x32768xf32, #tpu.memory_space<hbm>>
          %dma_wait3A_106 = tpu.memref_squeeze %dma_wait3A_105 : memref<1x32768xf32, #tpu.memory_space<hbm>> -> memref<32768xf32, #tpu.memory_space<hbm>>
          %dma_wait3A_107 = arith.constant 0 : i32
          %dma_wait3A_108 = tpu.memref_slice %arg9[%dma_wait3A_107] : memref<32784xf32, #tpu.memory_space<vmem>> -> memref<32768xf32, #tpu.memory_space<vmem>>
          tpu.wait_dma2 semaphore(%arg13 : memref<!tpu.dma_semaphore, #tpu.memory_space<semaphore_mem>>) src(%dma_wait3A_108 : memref<32768xf32, #tpu.memory_space<vmem>>) dst(%dma_wait3A_106 : memref<32768xf32, #tpu.memory_space<hbm>>)
        } else {
        }
        %scan3A_83 = arith.constant 0 : i32
        %scan3A_84 = arith.constant 0 : i32
        %scan3A_85 = arith.constant 64 : i32
        %scan3A_86 = arith.addi %scan3A_84, %scan3A_85 : i32
        %scan3A_87 = arith.constant 1 : i32
        scf.for %scan3A_99 = %scan3A_84 to %scan3A_86 step %scan3A_87  : i32 {
          %mul3A_100 = arith.constant 16 : i32
          %mul3A_101 = arith.muli %scan3A_99, %mul3A_100 : i32
          %add3A_102 = vector.broadcast %mul3A_101 : i32 to vector<16xi32>
          %add3A_103 = arith.addi %iota3A, %add3A_102 : vector<16xi32>
          %mul3A_104 = arith.constant 16 : i32
          %mul3A_105 = arith.muli %scan3A_99, %mul3A_104 : i32
          %get3A = arith.index_cast %mul3A_105 : i32 to index
          %get3A_106 = tpu.vector_load %arg7[%get3A] {strides = array<i32>} : memref<1024xi32, #tpu.memory_space<vmem>>, vector<16xi32>,
          %mul3A_107 = arith.constant 16 : i32
          %mul3A_108 = arith.muli %scan3A_99, %mul3A_107 : i32
          %get3A_109 = arith.index_cast %mul3A_108 : i32 to index
          %get3A_110 = tpu.vector_load %arg5[%get3A_109] {strides = array<i32>} : memref<1024xi32, #tpu.memory_space<vmem>>, vector<16xi32>,
          %mul3A_111 = arith.constant 1024 : i32
          %mul3A_112 = vector.broadcast %mul3A_111 : i32 to vector<16xi32>
          %mul3A_113 = arith.muli %get3A_106, %mul3A_112 : vector<16xi32>
          %add3A_114 = arith.addi %mul3A_113, %add3A_103 : vector<16xi32>
          tpu.vector_store_idx %arg9[%add3A_114], %broadcast_in_dim3A_12 : memref<32784xf32, #tpu.memory_space<vmem>>[vector<16xi32>], vector<16xf32>,
          %mul3A_115 = arith.constant 1024 : i32
          %mul3A_116 = vector.broadcast %mul3A_115 : i32 to vector<16xi32>
          %mul3A_117 = arith.muli %get3A_110, %mul3A_116 : vector<16xi32>
          %add3A_118 = arith.addi %mul3A_117, %add3A_103 : vector<16xi32>
          tpu.vector_store_idx %arg9[%add3A_118], %broadcast_in_dim3A_10 : memref<32784xf32, #tpu.memory_space<vmem>>[vector<16xi32>], vector<16xf32>,
          %mul3A_119 = arith.constant 16 : i32
          %mul3A_120 = arith.muli %scan3A_99, %mul3A_119 : i32
          %swap3A = arith.index_cast %mul3A_120 : i32 to index
          %swap3A_121 = tpu.vector_load %arg7[%swap3A] {strides = array<i32>} : memref<1024xi32, #tpu.memory_space<vmem>>, vector<16xi32>,
          tpu.vector_store %arg7[%swap3A], %get3A_110 {strides = array<i32>} : memref<1024xi32, #tpu.memory_space<vmem>>, vector<16xi32>,
        }
        %scan3A_88 = arith.constant 64 : i32
        %dma_start3A_89 = arith.constant 0 : i32
        %dma_start3A_90 = tpu.memref_slice %arg9[%dma_start3A_89] : memref<32784xf32, #tpu.memory_space<vmem>> -> memref<32768xf32, #tpu.memory_space<vmem>>
        %dma_start3A_91 = arith.constant 0 : i32
        %dma_start3A_92 = tpu.memref_slice %arg3[%add3A_58, %dma_start3A_91] : memref<200x32768xf32, #tpu.memory_space<hbm>> -> memref<1x32768xf32, #tpu.memory_space<hbm>>
        %dma_start3A_93 = tpu.memref_squeeze %dma_start3A_92 : memref<1x32768xf32, #tpu.memory_space<hbm>> -> memref<32768xf32, #tpu.memory_space<hbm>>
        %dma_start3A_94 = arith.constant 0 : i32
        %dma_start3A_95 = tpu.memref_slice %arg3[%add3A_58, %dma_start3A_94] : memref<200x32768xf32, #tpu.memory_space<hbm>> -> memref<1x32768xf32, #tpu.memory_space<hbm>>
        %dma_start3A_96 = tpu.memref_squeeze %dma_start3A_95 : memref<1x32768xf32, #tpu.memory_space<hbm>> -> memref<32768xf32, #tpu.memory_space<hbm>>
        %dma_start3A_97 = arith.constant 0 : i32
        %dma_start3A_98 = tpu.memref_slice %arg9[%dma_start3A_97] : memref<32784xf32, #tpu.memory_space<vmem>> -> memref<32768xf32, #tpu.memory_space<vmem>>
        tpu.enqueue_dma source(%dma_start3A_98 : memref<32768xf32, #tpu.memory_space<vmem>>) target(%dma_start3A_96 : memref<32768xf32, #tpu.memory_space<hbm>>) target_semaphore(%arg13 : memref<!tpu.dma_semaphore, #tpu.memory_space<semaphore_mem>>)
      } else {
      }
    }
    %dma_wait3A = arith.constant 0 : i32
    %dma_wait3A_38 = tpu.memref_slice %arg8[%dma_wait3A] : memref<32784xf32, #tpu.memory_space<vmem>> -> memref<32768xf32, #tpu.memory_space<vmem>>
    %dma_wait3A_39 = arith.constant 0 : i32
    %dma_wait3A_40 = tpu.memref_slice %arg3[%select_n3A, %dma_wait3A_39] : memref<200x32768xf32, #tpu.memory_space<hbm>> -> memref<1x32768xf32, #tpu.memory_space<hbm>>
    %dma_wait3A_41 = tpu.memref_squeeze %dma_wait3A_40 : memref<1x32768xf32, #tpu.memory_space<hbm>> -> memref<32768xf32, #tpu.memory_space<hbm>>
    %dma_wait3A_42 = arith.constant 0 : i32
    %dma_wait3A_43 = tpu.memref_slice %arg3[%select_n3A, %dma_wait3A_42] : memref<200x32768xf32, #tpu.memory_space<hbm>> -> memref<1x32768xf32, #tpu.memory_space<hbm>>
    %dma_wait3A_44 = tpu.memref_squeeze %dma_wait3A_43 : memref<1x32768xf32, #tpu.memory_space<hbm>> -> memref<32768xf32, #tpu.memory_space<hbm>>
    %dma_wait3A_45 = arith.constant 0 : i32
    %dma_wait3A_46 = tpu.memref_slice %arg8[%dma_wait3A_45] : memref<32784xf32, #tpu.memory_space<vmem>> -> memref<32768xf32, #tpu.memory_space<vmem>>
    tpu.wait_dma2 semaphore(%arg12 : memref<!tpu.dma_semaphore, #tpu.memory_space<semaphore_mem>>) src(%dma_wait3A_46 : memref<32768xf32, #tpu.memory_space<vmem>>) dst(%dma_wait3A_44 : memref<32768xf32, #tpu.memory_space<hbm>>)
    %dma_wait3A_47 = arith.constant 0 : i32
    %dma_wait3A_48 = tpu.memref_slice %arg9[%dma_wait3A_47] : memref<32784xf32, #tpu.memory_space<vmem>> -> memref<32768xf32, #tpu.memory_space<vmem>>
    %dma_wait3A_49 = arith.constant 0 : i32
    %dma_wait3A_50 = tpu.memref_slice %arg3[%select_n3A, %dma_wait3A_49] : memref<200x32768xf32, #tpu.memory_space<hbm>> -> memref<1x32768xf32, #tpu.memory_space<hbm>>
    %dma_wait3A_51 = tpu.memref_squeeze %dma_wait3A_50 : memref<1x32768xf32, #tpu.memory_space<hbm>> -> memref<32768xf32, #tpu.memory_space<hbm>>
    %dma_wait3A_52 = arith.constant 0 : i32
    %dma_wait3A_53 = tpu.memref_slice %arg3[%select_n3A, %dma_wait3A_52] : memref<200x32768xf32, #tpu.memory_space<hbm>> -> memref<1x32768xf32, #tpu.memory_space<hbm>>
    %dma_wait3A_54 = tpu.memref_squeeze %dma_wait3A_53 : memref<1x32768xf32, #tpu.memory_space<hbm>> -> memref<32768xf32, #tpu.memory_space<hbm>>
    %dma_wait3A_55 = arith.constant 0 : i32
    %dma_wait3A_56 = tpu.memref_slice %arg9[%dma_wait3A_55] : memref<32784xf32, #tpu.memory_space<vmem>> -> memref<32768xf32, #tpu.memory_space<vmem>>
    tpu.wait_dma2 semaphore(%arg13 : memref<!tpu.dma_semaphore, #tpu.memory_space<semaphore_mem>>) src(%dma_wait3A_56 : memref<32768xf32, #tpu.memory_space<vmem>>) dst(%dma_wait3A_54 : memref<32768xf32, #tpu.memory_space<hbm>>)
    return
  }
}

module attributes {stable_mosaic.version = 14 : i64} {
  func.func @_tc_body(%arg0: i32, %arg1: memref<8x1024xi32, #tpu.memory_space<vmem>>, %arg2: memref<8x1024xi32, #tpu.memory_space<vmem>>, %arg3: memref<8x1024xi32, #tpu.memory_space<vmem>>, %arg4: memref<128x128xf32, #tpu.memory_space<vmem>>, %arg5: memref<1x128x1024xf32, #tpu.memory_space<vmem>>, %arg6: memref<1x32x1024xf32, #tpu.memory_space<vmem>>, %arg7: memref<1x64x1024xf32, #tpu.memory_space<vmem>>) attributes {dimension_semantics = [#tpu.dimension_semantics<arbitrary>], iteration_bounds = array<i64: 200>, scalar_prefetch = 0 : i64, scratch_operands = 0 : i64, tpu.core_type = #tpu.core_type<tc>, window_params = [{transform_indices = @transform_0, window_bounds = array<i64: 8, 1024>}, {transform_indices = @transform_1, window_bounds = array<i64: 8, 1024>}, {transform_indices = @transform_2, window_bounds = array<i64: 8, 1024>}, {pipeline_mode = #tpu.pipeline_mode<synchronous>, transform_indices = @transform_3, window_bounds = array<i64: 128, 128>}, {transform_indices = @transform_4, window_bounds = array<i64: 1, 128, 1024>}, {transform_indices = @transform_5, window_bounds = array<i64: 1, 32, 1024>}, {transform_indices = @transform_6, window_bounds = array<i64: 1, 64, 1024>}]} {
    %jit3A = arith.constant 8 : i32
    %eq3A = arith.constant 0 : i32
    %eq3A_0 = arith.cmpi eq, %jit3A, %eq3A : i32
    %jit3A_1 = arith.constant 1 : i32
    %select_n3A = arith.select %eq3A_0, %jit3A_1, %jit3A : i32
    %rem3A = arith.remsi %arg0, %select_n3A : i32
    %ne3A = arith.constant 0 : i32
    %ne3A_2 = arith.cmpi ne, %rem3A, %ne3A : i32
    %lt3A = arith.constant 0 : i32
    %lt3A_3 = arith.cmpi slt, %rem3A, %lt3A : i32
    %lt3A_4 = arith.constant 0 : i32
    %lt3A_5 = arith.cmpi slt, %select_n3A, %lt3A_4 : i32
    %ne3A_6 = arith.xori %lt3A_3, %lt3A_5 : i1
    %and3A = arith.andi %ne3A_6, %ne3A_2 : i1
    %add3A = arith.addi %rem3A, %select_n3A : i32
    %select_n3A_7 = arith.select %and3A, %add3A, %rem3A : i32
    %get3A = arith.index_cast %select_n3A_7 : i32 to index
    %get3A_8 = arith.constant 0 : index
    %get3A_9 = vector.load %arg1[%get3A, %get3A_8] : memref<8x1024xi32, #tpu.memory_space<vmem>>, vector<1x1024xi32>
    %get3A_10 = vector.shape_cast %get3A_9 : vector<1x1024xi32> to vector<1024xi32>
    %broadcast_in_dim3A = vector.shape_cast %get3A_10 : vector<1024xi32> to vector<1x1024xi32>
    %get3A_11 = arith.index_cast %select_n3A_7 : i32 to index
    %get3A_12 = arith.constant 0 : index
    %get3A_13 = vector.load %arg2[%get3A_11, %get3A_12] : memref<8x1024xi32, #tpu.memory_space<vmem>>, vector<1x1024xi32>
    %get3A_14 = vector.shape_cast %get3A_13 : vector<1x1024xi32> to vector<1024xi32>
    %broadcast_in_dim3A_15 = vector.shape_cast %get3A_14 : vector<1024xi32> to vector<1x1024xi32>
    %get3A_16 = arith.index_cast %select_n3A_7 : i32 to index
    %get3A_17 = arith.constant 0 : index
    %get3A_18 = vector.load %arg3[%get3A_16, %get3A_17] : memref<8x1024xi32, #tpu.memory_space<vmem>>, vector<1x1024xi32>
    %get3A_19 = vector.shape_cast %get3A_18 : vector<1x1024xi32> to vector<1024xi32>
    %broadcast_in_dim3A_20 = vector.shape_cast %get3A_19 : vector<1024xi32> to vector<1x1024xi32>
    %iota3A = tpu.iota {dimensions = array<i32: 0>} : vector<128x1024xi32>
    %eq3A_21 = vector.broadcast %broadcast_in_dim3A : vector<1x1024xi32> to vector<128x1024xi32>
    %eq3A_22 = arith.cmpi eq, %iota3A, %eq3A_21 : vector<128x1024xi32>
    %add3A_23 = arith.constant 32 : i32
    %add3A_24 = vector.broadcast %add3A_23 : i32 to vector<1x1024xi32>
    %add3A_25 = arith.addi %broadcast_in_dim3A_15, %add3A_24 : vector<1x1024xi32>
    %eq3A_26 = vector.broadcast %add3A_25 : vector<1x1024xi32> to vector<128x1024xi32>
    %eq3A_27 = arith.cmpi eq, %iota3A, %eq3A_26 : vector<128x1024xi32>
    %or3A = arith.ori %eq3A_22, %eq3A_27 : vector<128x1024xi1>
    %add3A_28 = arith.constant 32 : i32
    %add3A_29 = vector.broadcast %add3A_28 : i32 to vector<1x1024xi32>
    %add3A_30 = arith.addi %broadcast_in_dim3A_20, %add3A_29 : vector<1x1024xi32>
    %add3A_31 = arith.constant 32 : i32
    %add3A_32 = vector.broadcast %add3A_31 : i32 to vector<1x1024xi32>
    %add3A_33 = arith.addi %add3A_30, %add3A_32 : vector<1x1024xi32>
    %eq3A_34 = vector.broadcast %add3A_33 : vector<1x1024xi32> to vector<128x1024xi32>
    %eq3A_35 = arith.cmpi eq, %iota3A, %eq3A_34 : vector<128x1024xi32>
    %or3A_36 = arith.ori %or3A, %eq3A_35 : vector<128x1024xi1>
    %convert_element_type3A = arith.extui %or3A_36 : vector<128x1024xi1> to vector<128x1024xi32>
    %convert_element_type3A_37 = arith.sitofp %convert_element_type3A : vector<128x1024xi32> to vector<128x1024xf32>
    %convert_element_type3A_38 = arith.truncf %convert_element_type3A_37 : vector<128x1024xf32> to vector<128x1024xbf16>
    %get3A_39 = arith.constant 0 : index
    %get3A_40 = arith.constant 0 : index
    %get3A_41 = vector.load %arg4[%get3A_39, %get3A_40] : memref<128x128xf32, #tpu.memory_space<vmem>>, vector<128x128xf32>
    %convert_element_type3A_42 = arith.truncf %get3A_41 : vector<128x128xf32> to vector<128x128xbf16>
    %dot_general3A = arith.constant dense<0.000000e+00> : vector<128x1024xf32>
    %dot_general3A_43 = tpu.matmul %convert_element_type3A_42, %convert_element_type3A_38, %dot_general3A {dimension_numbers = #tpu.dot_dimension_numbers<[1], [0], [0], [1], [0, 0, 1, 1], [], []>, transpose_lhs_hint = false} : vector<128x128xbf16>, vector<128x1024xbf16>, vector<128x1024xf32> -> vector<128x1024xf32>
    %swap3A = arith.constant 0 : index
    %swap3A_44 = arith.constant 0 : index
    %swap3A_45 = arith.constant 0 : index
    %swap3A_46 = vector.load %arg5[%swap3A, %swap3A_44, %swap3A_45] : memref<1x128x1024xf32, #tpu.memory_space<vmem>>, vector<1x128x1024xf32>
    %swap3A_47 = vector.shape_cast %swap3A_46 : vector<1x128x1024xf32> to vector<128x1024xf32>
    %swap3A_48 = vector.shape_cast %dot_general3A_43 : vector<128x1024xf32> to vector<1x128x1024xf32>
    tpu.vector_store %arg5[%swap3A, %swap3A_44, %swap3A_45], %swap3A_48 {strides = array<i32>} : memref<1x128x1024xf32, #tpu.memory_space<vmem>>, vector<1x128x1024xf32>,
    %convert_element_type3A_49 = arith.extf %convert_element_type3A_38 : vector<128x1024xbf16> to vector<128x1024xf32>
    %slice3A = vector.extract_strided_slice %convert_element_type3A_49 {offsets = [32, 0], sizes = [32, 1024], strides = [1, 1]} : vector<128x1024xf32> to vector<32x1024xf32>
    %swap3A_50 = arith.constant 0 : index
    %swap3A_51 = arith.constant 0 : index
    %swap3A_52 = arith.constant 0 : index
    %swap3A_53 = vector.load %arg6[%swap3A_50, %swap3A_51, %swap3A_52] : memref<1x32x1024xf32, #tpu.memory_space<vmem>>, vector<1x32x1024xf32>
    %swap3A_54 = vector.shape_cast %swap3A_53 : vector<1x32x1024xf32> to vector<32x1024xf32>
    %swap3A_55 = vector.shape_cast %slice3A : vector<32x1024xf32> to vector<1x32x1024xf32>
    tpu.vector_store %arg6[%swap3A_50, %swap3A_51, %swap3A_52], %swap3A_55 {strides = array<i32>} : memref<1x32x1024xf32, #tpu.memory_space<vmem>>, vector<1x32x1024xf32>,
    %slice3A_56 = vector.extract_strided_slice %convert_element_type3A_49 {offsets = [64, 0], sizes = [64, 1024], strides = [1, 1]} : vector<128x1024xf32> to vector<64x1024xf32>
    %swap3A_57 = arith.constant 0 : index
    %swap3A_58 = arith.constant 0 : index
    %swap3A_59 = arith.constant 0 : index
    %swap3A_60 = vector.load %arg7[%swap3A_57, %swap3A_58, %swap3A_59] : memref<1x64x1024xf32, #tpu.memory_space<vmem>>, vector<1x64x1024xf32>
    %swap3A_61 = vector.shape_cast %swap3A_60 : vector<1x64x1024xf32> to vector<64x1024xf32>
    %swap3A_62 = vector.shape_cast %slice3A_56 : vector<64x1024xf32> to vector<1x64x1024xf32>
    tpu.vector_store %arg7[%swap3A_57, %swap3A_58, %swap3A_59], %swap3A_62 {strides = array<i32>} : memref<1x64x1024xf32, #tpu.memory_space<vmem>>, vector<1x64x1024xf32>,
    return
  }
  func.func @transform_0(%arg0: i32) -> (i32, i32) {
    %jit3A = arith.constant 8 : i32
    %div3A = arith.divsi %arg0, %jit3A : i32
    %sign3A = arith.constant 0 : i32
    %sign3A_0 = arith.cmpi sgt, %arg0, %sign3A : i32
    %sign3A_1 = arith.extui %sign3A_0 : i1 to i32
    %sign3A_2 = arith.constant 0 : i32
    %sign3A_3 = arith.cmpi slt, %arg0, %sign3A_2 : i32
    %sign3A_4 = arith.extui %sign3A_3 : i1 to i32
    %sign3A_5 = arith.subi %sign3A_1, %sign3A_4 : i32
    %sign3A_6 = arith.constant 0 : i32
    %sign3A_7 = arith.cmpi sgt, %jit3A, %sign3A_6 : i32
    %sign3A_8 = arith.extui %sign3A_7 : i1 to i32
    %sign3A_9 = arith.constant 0 : i32
    %sign3A_10 = arith.cmpi slt, %jit3A, %sign3A_9 : i32
    %sign3A_11 = arith.extui %sign3A_10 : i1 to i32
    %sign3A_12 = arith.subi %sign3A_8, %sign3A_11 : i32
    %ne3A = arith.cmpi ne, %sign3A_5, %sign3A_12 : i32
    %rem3A = arith.remsi %arg0, %jit3A : i32
    %ne3A_13 = arith.constant 0 : i32
    %ne3A_14 = arith.cmpi ne, %rem3A, %ne3A_13 : i32
    %and3A = arith.andi %ne3A, %ne3A_14 : i1
    %sub3A = arith.constant 1 : i32
    %sub3A_15 = arith.subi %div3A, %sub3A : i32
    %select_n3A = arith.select %and3A, %sub3A_15, %div3A : i32
    %c0_i32 = arith.constant 0 : i32
    %c0_i32_16 = arith.constant 0 : i32
    return %select_n3A, %c0_i32 : i32, i32
  }
  func.func @transform_1(%arg0: i32) -> (i32, i32) {
    %jit3A = arith.constant 8 : i32
    %div3A = arith.divsi %arg0, %jit3A : i32
    %sign3A = arith.constant 0 : i32
    %sign3A_0 = arith.cmpi sgt, %arg0, %sign3A : i32
    %sign3A_1 = arith.extui %sign3A_0 : i1 to i32
    %sign3A_2 = arith.constant 0 : i32
    %sign3A_3 = arith.cmpi slt, %arg0, %sign3A_2 : i32
    %sign3A_4 = arith.extui %sign3A_3 : i1 to i32
    %sign3A_5 = arith.subi %sign3A_1, %sign3A_4 : i32
    %sign3A_6 = arith.constant 0 : i32
    %sign3A_7 = arith.cmpi sgt, %jit3A, %sign3A_6 : i32
    %sign3A_8 = arith.extui %sign3A_7 : i1 to i32
    %sign3A_9 = arith.constant 0 : i32
    %sign3A_10 = arith.cmpi slt, %jit3A, %sign3A_9 : i32
    %sign3A_11 = arith.extui %sign3A_10 : i1 to i32
    %sign3A_12 = arith.subi %sign3A_8, %sign3A_11 : i32
    %ne3A = arith.cmpi ne, %sign3A_5, %sign3A_12 : i32
    %rem3A = arith.remsi %arg0, %jit3A : i32
    %ne3A_13 = arith.constant 0 : i32
    %ne3A_14 = arith.cmpi ne, %rem3A, %ne3A_13 : i32
    %and3A = arith.andi %ne3A, %ne3A_14 : i1
    %sub3A = arith.constant 1 : i32
    %sub3A_15 = arith.subi %div3A, %sub3A : i32
    %select_n3A = arith.select %and3A, %sub3A_15, %div3A : i32
    %c0_i32 = arith.constant 0 : i32
    %c0_i32_16 = arith.constant 0 : i32
    return %select_n3A, %c0_i32 : i32, i32
  }
  func.func @transform_2(%arg0: i32) -> (i32, i32) {
    %jit3A = arith.constant 8 : i32
    %div3A = arith.divsi %arg0, %jit3A : i32
    %sign3A = arith.constant 0 : i32
    %sign3A_0 = arith.cmpi sgt, %arg0, %sign3A : i32
    %sign3A_1 = arith.extui %sign3A_0 : i1 to i32
    %sign3A_2 = arith.constant 0 : i32
    %sign3A_3 = arith.cmpi slt, %arg0, %sign3A_2 : i32
    %sign3A_4 = arith.extui %sign3A_3 : i1 to i32
    %sign3A_5 = arith.subi %sign3A_1, %sign3A_4 : i32
    %sign3A_6 = arith.constant 0 : i32
    %sign3A_7 = arith.cmpi sgt, %jit3A, %sign3A_6 : i32
    %sign3A_8 = arith.extui %sign3A_7 : i1 to i32
    %sign3A_9 = arith.constant 0 : i32
    %sign3A_10 = arith.cmpi slt, %jit3A, %sign3A_9 : i32
    %sign3A_11 = arith.extui %sign3A_10 : i1 to i32
    %sign3A_12 = arith.subi %sign3A_8, %sign3A_11 : i32
    %ne3A = arith.cmpi ne, %sign3A_5, %sign3A_12 : i32
    %rem3A = arith.remsi %arg0, %jit3A : i32
    %ne3A_13 = arith.constant 0 : i32
    %ne3A_14 = arith.cmpi ne, %rem3A, %ne3A_13 : i32
    %and3A = arith.andi %ne3A, %ne3A_14 : i1
    %sub3A = arith.constant 1 : i32
    %sub3A_15 = arith.subi %div3A, %sub3A : i32
    %select_n3A = arith.select %and3A, %sub3A_15, %div3A : i32
    %c0_i32 = arith.constant 0 : i32
    %c0_i32_16 = arith.constant 0 : i32
    return %select_n3A, %c0_i32 : i32, i32
  }
  func.func @transform_3(%arg0: i32) -> (i32, i32) {
    %c0_i32 = arith.constant 0 : i32
    %c0_i32_0 = arith.constant 0 : i32
    %c0_i32_1 = arith.constant 0 : i32
    return %c0_i32, %c0_i32_0 : i32, i32
  }
  func.func @transform_4(%arg0: i32) -> (i32, i32, i32) {
    %c0_i32 = arith.constant 0 : i32
    %c0_i32_0 = arith.constant 0 : i32
    %c0_i32_1 = arith.constant 0 : i32
    return %arg0, %c0_i32, %c0_i32_0 : i32, i32, i32
  }
  func.func @transform_5(%arg0: i32) -> (i32, i32, i32) {
    %c0_i32 = arith.constant 0 : i32
    %c0_i32_0 = arith.constant 0 : i32
    %c0_i32_1 = arith.constant 0 : i32
    return %arg0, %c0_i32, %c0_i32_0 : i32, i32, i32
  }
  func.func @transform_6(%arg0: i32) -> (i32, i32, i32) {
    %c0_i32 = arith.constant 0 : i32
    %c0_i32_0 = arith.constant 0 : i32
    %c0_i32_1 = arith.constant 0 : i32
    return %arg0, %c0_i32, %c0_i32_0 : i32, i32, i32
  }
}

</mosaic_0001>

<sc_bundles>
// kernel: kernel.4.cloned.1.call-start
scs
__scs_entry_jumppad:
0x0: {  	(pc) =	sbr.rel $0x88, $3  }
0x1: {  	(tag) =	ssettag $0x0;
	lr =	simm.s32 $0x1  }
0x2: {  	[smem:$0x3F9D] =	sst lr;
	_ =	strace $0xD0000000  }
0x3: {  	_ = 	snop  }
0x4: {  	_ = 	snop  }
0x5: {  	_ = 	snop  }
0x6: {  	_ = 	snop  }
0x7: {  	_ = 	snop  }
__scs_overlays_trampoline_lowered:
0x8: {  	[smem:$0x3FAC] =	sst s0  }
0x9: {  	[smem:$0x3FAD] =	sst s1  }
0xa: {  	[smem:$0x3FAE] =	sst s2  }
0xb: {  	[smem:$0x3FAF] =	sst s3  }
0xc: {  	[smem:$0x3FB0] =	sst s4  }
0xd: {  	[smem:$0x3FB1] =	sst s5  }
0xe: {  	[smem:$0x3FB2] =	sst s6  }
0xf: {  	[smem:$0x3FB3] =	sst s7  }
0x10: {  	[smem:$0x3FB4] =	sst s8  }
0x11: {  	[smem:$0x3FB5] =	sst s9;
	s0 =	simm.s32 @!p0 $0x0  }
0x12: {  	s1 =	sld [smem:$0x3F9B];
	s0 =	simm.s32 @p0 $0x1  }
0x13: {  	[smem:$0x3FB6] =	sst s0;
	s0 =	simm.s32 @!p1 $0x0  }
0x14: {  	s2 =	sld [smem:$0x3F9A];
	s0 =	simm.s32 @p1 $0x1  }
0x15: {  	[smem:$0x3FB7] =	sst s0;
	s0 =	simm.s32 @!p2 $0x0  }
0x16: {  	s3 =	sld [smem:$0x3FDB];
	s0 =	simm.s32 @p2 $0x1  }
0x17: {  	s4 =	simm.s32 $0x1BF5;
	[smem:$0x3FB9] =	sst s0  }
0x18: {  	s0 =	sld [smem:$0x3F9C];
	_ =	swait.ge [sflag:s4], $0x0  }
0x19: {  	s7 =	sld [smem:$0x3F9D]  }
0x1a: {  	s8 =	sadd.s32 $0xFFFFE003, lr  }
0x1b: {  	s9 =	sadd.s32 $0xFFFFFEF7, lr;
	s5 =	simm.s32 $0xFFFFFFFF;
	p2 =	slt.u32 s8, $0xFFFFF086  }
0x1c: {  	p1 =	slt.u32 s9, $0xF7A;
	s5 =	simm.s32 @!p2 $0x0  }
0x1d: {  	s5 =	simm.s32 @p1 $0x1;
	p0 =	seq.s32 s7, s2  }
0x1e: {  	s7 =	smul.u32 @!p0 $0xF7A, s2;
	p2 =	seq.s32 @!p0 s5, $0x0  }
0x1f: {  	s9 =	smul.u32 $0xF7A, s1;
	s8 =	simm.s32 @!p0 $0x1BF5;
	p2 =	por !p2, p0  }
0x20: {  	[sflag:s8] =	ssyncset.s32 @!p0 $0xFFFFF086;
	s6 =	sadd.s32 @!p0 s3, s7;
	s7 =	simm.s32 @!p0 $0x108  }
0x21: {  	s3 =	sadd.s32 s3, s9;
	s6 =	sadd.s32 @!p0 $0x88, s6;
	s7 =	simm.s32 @p2 $0x1082  }
0x22: {  	[simem:s7], [sflag:s8] =	dma.local @!p0 [hbm:s6], $0xF7A  }
0x23: {  	s9 =	sor.u32 $0xD0000000, s2;
	s6 =	simm.s32 $0x108;
	_ =	swait.ge @!p0 [sflag:s8], $0x0  }
0x24: {  	s3 =	sadd.s32 $0x88, s3;
	s6 =	simm.s32 @!p1 $0x1082;
	[sflag:s4] =	ssyncset.s32 $0xFFFFF086  }
0x25: {  	[simem:s6], [sflag:s4] =	dma.local [hbm:s3], $0xF7A  }
0x26: {  	[smem:$0x3F9D] =	sst s1;
	(tag) =	ssettag s2;
	_ =	strace s9  }
0x27: {  	s1 =	sld [smem:$0x3FAD]  }
0x28: {  	s2 =	sld [smem:$0x3FAE]  }
0x29: {  	s4 =	sld [smem:$0x3FB0]  }
0x2a: {  	p0 =	seq.s32 s5, $0x0;
	s5 =	sld [smem:$0x3FB1]  }
0x2b: {  	s6 =	sld [smem:$0x3FB2]  }
0x2c: {  	s7 =	sld [smem:$0x3FB3]  }
0x2d: {  	s3 =	simm.s32 $0x108;
	s8 =	sld [smem:$0x3FB4]  }
0x2e: {  	s3 =	simm.s32 @!p0 $0x1082;
	s9 =	sld [smem:$0x3FB5]  }
0x2f: {  	lr =	sadd.s32 s0, s3;
	s0 =	sld [smem:$0x3FAC]  }
0x30: {  	s3 =	sld [smem:$0x3FAF]  }
0x31: {  	[smem:$0x3FB8] =	sst s10  }
0x32: {  	s10 =	sld [smem:$0x3FB6];
	_ =	sdelay $0x3  }
0x33: {  	p0 =	seq.s32 s10, $0x1;
	s10 =	sld [smem:$0x3FB8];
	_ =	sdelay $0x3  }
0x34: {  	[smem:$0x3FB8] =	sst s10  }
0x35: {  	s10 =	sld [smem:$0x3FB7];
	_ =	sdelay $0x3  }
0x36: {  	p1 =	seq.s32 s10, $0x1;
	s10 =	sld [smem:$0x3FB8];
	_ =	sdelay $0x3  }
0x37: {  	[smem:$0x3FB8] =	sst s10  }
0x38: {  	s10 =	sld [smem:$0x3FB9]  }
0x39: {  	_ = 	snop;
	(pc) =	sbr.ind lr, $3  }
0x3a: {  	_ = 	snop  }
0x3b: {  	_ = 	snop  }
0x3c: {  	p2 =	seq.s32 s10, $0x1;
	s10 =	sld [smem:$0x3FB8]  }
0x3d: {  	_ =	shalt  }
0x3e: {  	_ =	shalt  }
0x3f: {  	_ =	shalt  }
0x40: {  	_ =	shalt  }
0x41: {  	_ =	shalt  }
0x42: {  	_ =	shalt  }
0x43: {  	_ =	shalt  }
0x44: {  	_ =	shalt  }
0x45: {  	_ =	shalt  }
0x46: {  	_ =	shalt  }
0x47: {  	_ =	shalt  }
0x48: {  	_ =	shalt  }
0x49: {  	_ =	shalt  }
0x4a: {  	_ =	shalt  }
0x4b: {  	_ =	shalt  }
0x4c: {  	_ =	shalt  }
0x4d: {  	_ =	shalt  }
0x4e: {  	_ =	shalt  }
0x4f: {  	_ =	shalt  }
0x50: {  	_ =	shalt  }
0x51: {  	_ =	shalt  }
0x52: {  	_ =	shalt  }
0x53: {  	_ =	shalt  }
0x54: {  	_ =	shalt  }
0x55: {  	_ =	shalt  }
0x56: {  	_ =	shalt  }
0x57: {  	_ =	shalt  }
0x58: {  	_ =	shalt  }
0x59: {  	_ =	shalt  }
0x5a: {  	_ =	shalt  }
0x5b: {  	_ =	shalt  }
0x5c: {  	_ =	shalt  }
0x5d: {  	_ =	shalt  }
0x5e: {  	_ =	shalt  }
0x5f: {  	_ =	shalt  }
0x60: {  	_ =	shalt  }
0x61: {  	_ =	shalt  }
0x62: {  	_ =	shalt  }
0x63: {  	_ =	shalt  }
0x64: {  	_ =	shalt  }
0x65: {  	_ =	shalt  }
0x66: {  	_ =	shalt  }
0x67: {  	_ =	shalt  }
0x68: {  	_ =	shalt  }
0x69: {  	_ =	shalt  }
0x6a: {  	_ =	shalt  }
0x6b: {  	_ =	shalt  }
0x6c: {  	_ =	shalt  }
0x6d: {  	_ =	shalt  }
0x6e: {  	_ =	shalt  }
0x6f: {  	_ =	shalt  }
0x70: {  	_ =	shalt  }
0x71: {  	_ =	shalt  }
0x72: {  	_ =	shalt  }
0x73: {  	_ =	shalt  }
0x74: {  	_ =	shalt  }
0x75: {  	_ =	shalt  }
0x76: {  	_ =	shalt  }
0x77: {  	_ =	shalt  }
0x78: {  	_ =	shalt  }
0x79: {  	_ =	shalt  }
0x7a: {  	_ =	shalt  }
0x7b: {  	_ =	shalt  }
0x7c: {  	_ =	shalt  }
0x7d: {  	_ =	shalt  }
0x7e: {  	_ =	shalt  }
0x7f: {  	_ =	shalt  }
0x80: {  	_ =	shalt  }
0x81: {  	_ =	shalt  }
0x82: {  	_ =	shalt  }
0x83: {  	_ =	shalt  }
0x84: {  	_ =	shalt  }
0x85: {  	_ =	shalt  }
0x86: {  	_ =	shalt  }
0x87: {  	_ =	shalt  }
.Lfunc_end0:
.L_simem_size_0:
called_computation.1_lowered:
.L_overlay_start_0:
0x88: {  	s2 =	sld [smem:$0x3FD9]  }
0x89: {  	s3 =	sld [smem:$0x3FFE];
	_ =	sdelay $0x1  }
0x8a: {  	s1 =	srdreg.scid  }
0x8b: {  	s0 =	sand.u32 $0x1, s1  }
0x8c: {  	s14 =	sshll.u32 s0, $0xA;
	s2 =	sadd.s32 s3, s2  }
0x8d: {  	s2 =	sadd.s32 s2, s14  }
0x8e: {  	[smem:$0x3FC4] =	sst s2  }
0x8f: {  	_ = 	snop  }
0x90: {  	s2 =	sld [smem:$0x3FD0];
	_ =	sdelay $0x2  }
0x91: {  	s15 =	simm.s32 $0xB;
	s4 =	simm.s32 $0x10  }
0x92: {  	[smem:s4], [sflag:s15] =	dma.local [hbm:s2], $0x1  }
0x93: {  	_ =	swait.eq [sflag:s15], $0x1  }
0x94: {  	[sflag:s15] =	ssyncset.done $0x0  }
0x95: {  	[sflag:s15] =	ssyncadd.s32 $0xFFFFFFFF  }
0x96: {  	s16 =	sld [smem:$0x10];
	(tm) =	ssettm $0x1  }
0x97: {  	s17 =	sld [smem:$0x3FFB];
	_ =	sdelay $0x3  }
0x98: {  	_ =	strace s17  }
0x99: {  	s3 =	sld [smem:$0x3FFC];
	_ =	sdelay $0x3  }
0x9a: {  	_ =	strace s3  }
0x9b: {  	s3 =	sld [smem:$0x3FFD];
	_ =	sdelay $0x3  }
0x9c: {  	_ =	strace s3  }
0x9d: {  	_ =	strace $0x8FFFFFFF  }
0x9e: {  	s18 =	sld [smem:$0x3FDB];
	_ =	sdelay $0x1  }
0x9f: {  	s19 =	simm.s32 $_scs_section_size  }
0xa0: {  	s5 =	simm.s32 $_size__tile_overlayer_lowered;
	s6 =	simm.s32 $_tile_overlayer_lowered  }
0xa1: {  	s22 =	simm.s32 $0x1BFF;
	s21 =	sshll.u32 s6, $0x1;
	s3 =	sadd.s32 s19, s18  }
0xa2: {  	s7 =	simm.s32 $0x0;
	s20 =	sshll.u32 s5, $0x1;
	s5 =	sadd.s32 s21, s3  }
0xa3: {  	[timem:s7], [sflag:s22] =	dma.local [hbm:s5], s20  }
0xa4: {  	_ =	swait.ge [sflag:s22], s20  }
0xa5: {  	s4 =	ssub.s32 $0x0, s20;
	[sflag:s22] =	ssyncset.done $0x0  }
0xa6: {  	[sflag:s22] =	ssyncadd.s32 s4;
	_ =	sdelay $0x1  }
0xa7: {  	s23 =	simm.s32 $0x1B8B  }
0xa8: {  	_ =	swait.ge [sflag:s23], $0x1  }
0xa9: {  	[sflag:s23] =	ssyncset.done $0x0  }
0xaa: {  	s25 =	simm.s32 $0x1B8E;
	s24 =	sld [smem:$0x3FFE];
	[sflag:s23] =	ssyncadd.s32 $0xFFFFFFFF  }
0xab: {  	s26 =	simm.s32 $execute0_lowered;
	[smem:$0x3FD2] =	sst s25  }
0xac: {  	s5 =	sshll.u32 s26, $0x1;
	_ =	strace $0x80000046;
	[dreg:$0x1] =	wrdreg $0xFFFFFFFF  }
0xad: {  	s28 =	simm.s32 $_size_execute0_lowered;
	s3 =	sadd.s32 s3, s5;
	[dreg:$0x0] =	wrdreg $0x0  }
0xae: {  	s5 =	sshll.u32 s28, $0x1;
	[dreg:$0x2] =	wrdreg s3  }
0xaf: {  	[dreg:$0x3] =	wrdreg s5  }
0xb0: {  	[dreg:$0x4] =	wrdreg $0xC0  }
0xb1: {  	_ =	task [dreg:s7], $0x5FFFF  }
0xb2: {  	[dreg:$0x1] =	wrdreg $0xFFFFFFFF  }
0xb3: {  	[dreg:$0x0] =	wrdreg $0x60  }
0xb4: {  	[dreg:$0x2] =	wrdreg s16  }
0xb5: {  	[dreg:$0x3] =	wrdreg s24  }
0xb6: {  	[dreg:$0x4] =	wrdreg $0xA  }
0xb7: {  	_ =	task.clear_ibuf [dreg:s7], $0x5FFFF;
	_ =	strace $0x90000046  }
0xb8: {  	s29 =	simm.s32 $0xA;
	_ =	strace $0x80000048  }
0xb9: {  	_ =	swait.ge [sflag:s29], $0x1  }
0xba: {  	[sflag:s29] =	ssyncadd.s32 $0xFFFFFFFF  }
0xbb: {  	_ =	strace $0x90000048  }
0xbc: {  	_ =	sfence  }
0xbd: {  	s30 =	sld [smem:$0x0];
	_ =	sdelay $0x2  }
0xbe: {  	s31 =	sshll.u32 s1, $0xD;
	s1 =	sshrl.u32 s1, $0x2  }
0xbf: {  	s3 =	sand.u32 $0x4000, s31;
	s1 =	sadd.s32 s1, s30  }
0xc0: {  	s0 =	sor.u32 s3, s0;
	s1 =	sshll.u32 s1, $0x11  }
0xc1: {  	s0 =	sor.u32 s1, s0  }
0xc2: {  	s0 =	sadd.s32 $0x8F2B, s0  }
0xc3: {  	[sflag:s0] =	ssyncadd.remote.s32 $0x1  }
0xc4: {  	_ =	sfence.sel $0xFFFF  }
0xc5: {  	[dreg:$0x0] =	wrdreg $0xFFFFFFFF;
	(pc) =	sbr.abs _section_cstart, $3  }
0xc6: {  	[dreg:$0x1] =	wrdreg $0xFFFFFFFF  }
0xc7: {  	_ =	task.clear_ibuf [dreg:s7], $0x2FFFF;
	_ =	strace $0x9FFFFFFF  }
0xc8: {  	(tm) =	ssettm $0x7FFFFFFF  }
0xc9: {  	_ =	shalt  }
tec
execute0_lowered:
.L_overlay_start_1:
0x0: {  	(tag) =	ssettag $0x1  }
0x1: {  	s1 =	srdreg.scid  }
0x2: {  	s0 =	stileid.u32;
	s2 =	rddreg [dreg:$0x0]  }
0x3: {  	s5 =	rddreg [dreg:$0x1];
	s3 =	simm.s32 $0x0;
	s10 =	simm.s32 $0x2  }
0x4: {  	s11 =	simm.s32 $0x9080;
	s12 =	simm.s32 $0x80;
	s13 =	simm.s32 $0x400  }
0x5: {  	s14 =	simm.s32 $0x3;
	s6 =	sand.u32 $0x1, s1;
	s30 =	sshll.u32 s0, $0x1  }
0x6: {  	s15 =	simm.s32 $0x4;
	s16 =	simm.s32 $0x1;
	s4 =	sor.u32 s6, s30  }
0x7: {  	s17 =	simm.s32 $0x1000;
	s1 =	rddreg [dreg:$0x2];
	s7 =	smul.u32 $0x6, s4  }
0x8: {  	[smem:$0x7FF] =	sst s3;
	p0 =	slt.u32 s0, $0x4;
	s8 =	smul.u32 $0x7, s4  }
.Ltmp0:
0x9: {  	s5 =	sadd.s32 $0x1200, s5;
	s4 =	sadd.s32 $0x8, s7;
	(pc) =	sbr.rel .LBB2_1-.Ltmp0, $4  }
0xa: {  	_ =	strace $0x80000047;
	s31 =	ssub.s32 $0x2, s6;
	s4 =	smov.u32 @p0 s8  }
0xb: {  	s6 =	simm.s32 $0x7;
	s9 =	sshrl.u32 s31, $0x1;
	s8 =	sshll.u32 s4, $0x7  }
0xc: {  	v0 =	vimm.f32 $0.0e+00;
	s6 =	simm.s32 @!p0 $0x6;
	s9 =	ssub.s32 s31, s9;
	s8 =	sand.u32 $0x1FFFFF80, s8  }
0xd: {  	v1 =	vimm.s32 $0x0;
	v2 =	vlaneseq.u32;
	v3 =	vimm.f32 $1.000000000e+00;
	s9 =	smax.u32 s9, $0x1;
	s7 =	sadd.s32 s2, s8;
	s8 =	sadd.s32 $0xFFFFFFFF, s6  }
.LBB2_14:
0xe: {  	s3 =	sadd.s32 $0x1, s3  }
0xf: {  	_ =	swait.ge [sflag:s14], $0x8000;
	p0 =	sne.s32 s3, s9  }
.Ltmp1:
0x10: {  	[sflag:s14] =	ssyncset.done $0x0;
	(pc) =	sbr.rel @!p0 .LBB2_15-.Ltmp1, $4  }
0x11: {  	[sflag:s14] =	ssyncadd.s32 $0xFFFF8000  }
0x12: {  	_ =	swait.ge [sflag:s15], $0x8000  }
0x13: {  	[sflag:s15] =	ssyncset.done $0x0  }
0x14: {  	[sflag:s15] =	ssyncadd.s32 $0xFFFF8000  }
.LBB2_1:
0x15: {  	s18 =	simm.s32 $0x0  }
.LBB2_2:
0x16: {  	p0 =	sne.s32 s18, $0x1FFC0  }
.Ltmp2:
0x17: {  	_ = 	snop;
	(pc) =	sbr.rel @p0 .LBB2_2-.Ltmp2, $4  }
0x18: {  	_ = 	snop  }
0x19: {  	s19 =	sshra.s32 s18, $0x2  }
0x1a: {  	[tilespmem:s19+$0x1000] =	vst v0  }
0x1b: {  	s18 =	sadd.s32 $0x40, s18;
	[tilespmem:s19+$0x9080] =	vst v0  }
0x1c: {  	s18 =	simm.s32 $0x40;
	s19 =	simm.s32 $0x0  }
.LBB2_4:
0x1d: {  	p0 =	sne.s32 s18, $0xFC0;
	[tilespmem:s19+$0x800] =	vst v1;
	s20 =	smov.u32 s18;
	s18 =	sadd.s32 $0x40, s18  }
.Ltmp3:
0x1e: {  	[tilespmem:s19+$0xC00] =	vst v1;
	(pc) =	sbr.rel @p0 .LBB2_4-.Ltmp3, $2  }
0x1f: {  	_ =	sdelay $0x2  }
0x20: {  	s19 =	sshra.s32 s20, $0x2  }
.Ltmp4:
0x21: {  	(pc) =	sbr.rel .LBB2_6-.Ltmp4, $4  }
0x22: {  	_ = 	snop  }
0x23: {  	[tilespmem:s19+$0x800] =	vst v1  }
0x24: {  	[tilespmem:s19+$0xC00] =	vst v1;
	s18 =	simm.s32 $0x0  }
0x25: {  	[tilespmem:s18], [sflag:$0x1] =	stream.linear.gather [hbm4b:s7+s18], $0x400, $0x38;
	[tilespmem:$0x11100] =	vst v63  }
.LBB2_13:
0x26: {  	s18 =	sadd.s32 $0x1, s18  }
0x27: {  	p0 =	sne.s32 s18, s6  }
.Ltmp5:
0x28: {  	_ = 	snop;
	(pc) =	sbr.rel @!p0 .LBB2_14-.Ltmp5, $1  }
0x29: {  	_ =	sdelay $0x3  }
.LBB2_6:
0x2a: {  	s20 =	sand.u32 $0x1, s18  }
0x2b: {  	p0 =	seq.s32 s20, $0x1  }
.Ltmp6:
0x2c: {  	_ = 	snop;
	(pc) =	sbr.rel @p0 .LBB2_10-.Ltmp6, $2  }
0x2d: {  	_ =	sdelay $0x2  }
0x2e: {  	s19 =	sadd.s32 s4, s18  }
0x2f: {  	p0 =	sge.u32 s18, s8  }
0x30: {  	s21 =	sshll.u32 @!p0 s19, $0x7  }
0x31: {  	_ =	swait.ge [sflag:s16], $0x400;
	s21 =	sand.u32 @!p0 $0x1FFFFF80, s21  }
0x32: {  	[sflag:s16] =	ssyncset.done $0x0;
	s22 =	simm.s32 @!p0 $0x0;
	s21 =	sadd.s32 @!p0 s2, s21  }
0x33: {  	s23 =	simm.s32 @!p0 $0x400;
	[sflag:s16] =	ssyncadd.s32 $0xFFFFFC00;
	s21 =	sadd.s32 @!p0 $0x80, s21  }
0x34: {  	[tilespmem:s23], [sflag:$0x2] =	stream.linear.gather @!p0 [hbm4b:s21+s22], $0x400, $0x38;
	[tilespmem:$0x11100] =	vst v63  }
0x35: {  	p0 =	slt.u32 s18, $0x2  }
0x36: {  	s21 =	simm.s32 @!p0 $0x3  }
0x37: {  	_ =	swait.ge @!p0 [sflag:s21], $0x8000  }
0x38: {  	[sflag:s21] =	ssyncset.done @!p0 $0x0  }
0x39: {  	[sflag:s21] =	ssyncadd.s32 @!p0 $0xFFFF8000;
	s21 =	simm.s32 $0x800  }
0x3a: {  	s22 =	simm.s32 $0x0;
	v5 =	vld [tilespmem:s21+$0x0]  }
0x3b: {  	v4 =	vld [tilespmem:s22+$0x0];
	_ =	sdelay $0x3  }
0x3c: {  	v6 =	vor.u32 s22, v2;
	v5 =	vshll.u32 v5, $0xA  }
0x3d: {  	v7 =	vshll.u32 v4, $0xA;
	v5 =	vadd.s32 v6, v5  }
0x3e: {  	v6 =	vadd.s32 v6, v7;
	_ =	sdelay $0x3  }
0x3f: {  	[tilespmem:v5+s17+$0x0] =	vst.idx.msk $0xffff, v0  }
0x40: {  	s23 =	simm.s32 $0x10;
	[tilespmem:v6+s17+$0x0] =	vst.idx.msk $0xffff, v3  }
.LBB2_8:
0x41: {  	p0 =	sne.s32 s23, $0x3F0;
	[tilespmem:s21+$0x0] =	vst v4;
	s21 =	sadd.s32 $0x10, s21;
	s22 =	sadd.s32 $0x10, s22  }
0x42: {  	s24 =	smov.u32 s23;
	s23 =	sadd.s32 $0x10, s23;
	v5 =	vld [tilespmem:s21+$0x0]  }
0x43: {  	v4 =	vld [tilespmem:s22+$0x0];
	_ =	sdelay $0x3  }
0x44: {  	v6 =	vor.u32 s24, v2;
	v5 =	vshll.u32 v5, $0xA  }
0x45: {  	v5 =	vadd.s32 v6, v5;
	v7 =	vshll.u32 v4, $0xA  }
0x46: {  	v6 =	vadd.s32 v6, v7  }
.Ltmp7:
0x47: {  	(pc) =	sbr.rel @p0 .LBB2_8-.Ltmp7, $3  }
0x48: {  	_ =	sdelay $0x1  }
0x49: {  	[tilespmem:v5+s17+$0x0] =	vst.idx.msk $0xffff, v0  }
0x4a: {  	[tilespmem:v6+s17+$0x0] =	vst.idx.msk $0xffff, v3  }
0x4b: {  	s22 =	sshll.u32 s19, $0xF;
	s23 =	sshll.u32 s19, $0x7;
	p0 =	seq.s32 s20, $0x0  }
.Ltmp8:
0x4c: {  	s22 =	sand.u32 $0xFFFC0000, s22;
	s23 =	sand.u32 $0x380, s23;
	(pc) =	sbr.rel @p0 .LBB2_13-.Ltmp8, $4  }
0x4d: {  	s22 =	sor.u32 s23, s22  }
0x4e: {  	s22 =	sshrl.u32 s22, $0x3  }
0x4f: {  	[tilespmem:s21+$0x0] =	vst v4;
	s31 =	sadd.s32 s5, s22  }
0x50: {  	[hbm4b:s31+s12] =	stream.strided.scatter [tilespmem:s17], [sflag:$0x3], $0x8000, s13, s12, $0x38;
	[tilespmem:$0x11100] =	vst v63  }
.LBB2_10:
0x51: {  	p0 =	sge.u32 s18, s8  }
0x52: {  	s20 =	sshll.u32 @!p0 s19, $0x7  }
0x53: {  	_ =	swait.ge [sflag:s10], $0x400;
	s20 =	sand.u32 @!p0 $0x1FFFFF80, s20  }
0x54: {  	[sflag:s10] =	ssyncset.done $0x0;
	s20 =	sadd.s32 @!p0 s2, s20  }
0x55: {  	s21 =	simm.s32 @!p0 $0x0;
	[sflag:s10] =	ssyncadd.s32 $0xFFFFFC00;
	s20 =	sadd.s32 @!p0 $0x80, s20  }
0x56: {  	[tilespmem:s21], [sflag:$0x1] =	stream.linear.gather @!p0 [hbm4b:s20+s21], $0x400, $0x38;
	[tilespmem:$0x11100] =	vst v63  }
0x57: {  	p0 =	slt.u32 s18, $0x2  }
0x58: {  	s20 =	simm.s32 @!p0 $0x4  }
0x59: {  	_ =	swait.ge @!p0 [sflag:s20], $0x8000  }
0x5a: {  	[sflag:s20] =	ssyncset.done @!p0 $0x0  }
0x5b: {  	[sflag:s20] =	ssyncadd.s32 @!p0 $0xFFFF8000;
	s20 =	simm.s32 $0xC00  }
0x5c: {  	s21 =	simm.s32 $0x400;
	v5 =	vld [tilespmem:s20+$0x0]  }
0x5d: {  	v4 =	vld [tilespmem:s21+$0x0];
	_ =	sdelay $0x2  }
0x5e: {  	s22 =	simm.s32 $0x0  }
0x5f: {  	v6 =	vor.u32 s22, v2;
	v5 =	vshll.u32 v5, $0xA  }
0x60: {  	v7 =	vshll.u32 v4, $0xA;
	v5 =	vadd.s32 v6, v5  }
0x61: {  	v6 =	vadd.s32 v6, v7;
	_ =	sdelay $0x3  }
0x62: {  	[tilespmem:v5+s11+$0x0] =	vst.idx.msk $0xffff, v0  }
0x63: {  	s22 =	simm.s32 $0x10;
	[tilespmem:v6+s11+$0x0] =	vst.idx.msk $0xffff, v3  }
.LBB2_11:
0x64: {  	p0 =	sne.s32 s22, $0x3F0;
	[tilespmem:s20+$0x0] =	vst v4;
	s20 =	sadd.s32 $0x10, s20;
	s21 =	sadd.s32 $0x10, s21  }
0x65: {  	s23 =	smov.u32 s22;
	s22 =	sadd.s32 $0x10, s22;
	v5 =	vld [tilespmem:s20+$0x0]  }
0x66: {  	v4 =	vld [tilespmem:s21+$0x0];
	_ =	sdelay $0x3  }
0x67: {  	v6 =	vor.u32 s23, v2;
	v5 =	vshll.u32 v5, $0xA  }
0x68: {  	v5 =	vadd.s32 v6, v5;
	v7 =	vshll.u32 v4, $0xA  }
0x69: {  	v6 =	vadd.s32 v6, v7  }
.Ltmp9:
0x6a: {  	(pc) =	sbr.rel @p0 .LBB2_11-.Ltmp9, $3  }
0x6b: {  	_ =	sdelay $0x1  }
0x6c: {  	[tilespmem:v5+s11+$0x0] =	vst.idx.msk $0xffff, v0  }
0x6d: {  	[tilespmem:v6+s11+$0x0] =	vst.idx.msk $0xffff, v3  }
0x6e: {  	s21 =	sshll.u32 s19, $0xF;
	s31 =	sshll.u32 s19, $0x7  }
.Ltmp10:
0x6f: {  	s21 =	sand.u32 $0xFFFC0000, s21;
	s19 =	sand.u32 $0x380, s31;
	(pc) =	sbr.rel .LBB2_13-.Ltmp10, $4  }
0x70: {  	s19 =	sor.u32 s19, s21  }
0x71: {  	s19 =	sshrl.u32 s19, $0x3  }
0x72: {  	[tilespmem:s20+$0x0] =	vst v4;
	s19 =	sadd.s32 s5, s19  }
0x73: {  	[hbm4b:s19+s12] =	stream.strided.scatter [tilespmem:s11], [sflag:$0x4], $0x8000, s13, s12, $0x38;
	[tilespmem:$0x11100] =	vst v63  }
.LBB2_15:
0x74: {  	_ =	sfence.sel $0x180000  }
0x75: {  	[bflag:$0x0] =	sbarrier.arrive $0xFFFF  }
0x76: {  	p0 =	sne.s32 s0, $0x0;
	_ =	strace $0x90000047  }
0x77: {  	s0 =	sadd.s32 @!p0 $0x100000, s1;
	[bflag:$0x2] =	sbarrier.arrive $0xFFFF  }
0x78: {  	[sflag:s0] =	ssyncadd.tile.s32 @!p0 $0x1;
	_ =	shalt  }
.Lfunc_end2:
_tile_overlayer_lowered:
.L_overlay_start_2:
0x79: {  	(tag) =	ssettag $0x2  }
0x7a: {  	s0 =	rddreg [dreg:$0x0];
	s2 =	stileid.u32  }
0x7b: {  	s1 =	rddreg [dreg:$0x1];
	p0 =	sne.s32 s2, $0x0  }
0x7c: {  	s3 =	rddreg [dreg:$0x2];
	[bflag:$0x3] =	sbarrier.arrive $0xFFFF;
	s2 =	simm.s32 @!p0 $0x1C05  }
0x7d: {  	[timem:s3], [sflag:s2] =	dma.local @!p0 [hbm:s0], s1  }
0x7e: {  	s0 =	simm.s32 @!p0 $0x5  }
0x7f: {  	_ =	swait.ge @!p0 [sflag:s0], s1  }
0x80: {  	s1 =	ssub.s32 @!p0 $0x0, s1;
	[sflag:s0] =	ssyncset.done @!p0 $0x0  }
0x81: {  	[sflag:s0] =	ssyncadd.s32 @!p0 s1  }
0x82: {  	[bflag:$0x3] =	sbarrier.arrive $0xFFFF  }
0x83: {  	_ =	shalt  }

// kernel: sparse-core-data-format-call.cloned.1.call-start
scs
called_computation_lowered:
.L_overlay_start_0:
0x0: {  	s2 =	sld [smem:$0x3FD9]  }
0x1: {  	s3 =	sld [smem:$0x3FFE];
	_ =	sdelay $0x1  }
0x2: {  	s1 =	srdreg.scid  }
0x3: {  	s0 =	sand.u32 $0x1, s1  }
0x4: {  	s16 =	sshll.u32 s0, $0xA;
	s2 =	sadd.s32 s3, s2  }
0x5: {  	s2 =	sadd.s32 s2, s16  }
0x6: {  	[smem:$0x3FC4] =	sst s2  }
0x7: {  	_ = 	snop  }
0x8: {  	s2 =	sld [smem:$0x3FD0];
	_ =	sdelay $0x2  }
0x9: {  	s17 =	simm.s32 $0xB;
	s4 =	simm.s32 $0x10  }
0xa: {  	[smem:s4], [sflag:s17] =	dma.local [hbm:s2], $0x1  }
0xb: {  	_ =	swait.eq [sflag:s17], $0x1  }
0xc: {  	[sflag:s17] =	ssyncset.done $0x0  }
0xd: {  	[sflag:s17] =	ssyncadd.s32 $0xFFFFFFFF  }
0xe: {  	s18 =	sld [smem:$0x13];
	(tm) =	ssettm $0x1  }
0xf: {  	s19 =	sld [smem:$0x3FFB];
	_ =	sdelay $0x3  }
0x10: {  	_ =	strace s19  }
0x11: {  	s2 =	sld [smem:$0x3FFC];
	_ =	sdelay $0x3  }
0x12: {  	_ =	strace s2  }
0x13: {  	s2 =	sld [smem:$0x3FFD];
	_ =	sdelay $0x3  }
0x14: {  	_ =	strace s2  }
0x15: {  	_ =	strace $0x8FFFFFFF  }
0x16: {  	s20 =	sld [smem:$0x3FDB];
	_ =	sdelay $0x1  }
0x17: {  	s21 =	simm.s32 $_scs_section_size  }
0x18: {  	s5 =	simm.s32 $_size__tile_overlayer_lowered;
	s6 =	simm.s32 $_tile_overlayer_lowered  }
0x19: {  	s7 =	simm.s32 $0x1BFF;
	s22 =	sshll.u32 s6, $0x1;
	s4 =	sadd.s32 s21, s20  }
0x1a: {  	s23 =	simm.s32 $0x0;
	s5 =	sshll.u32 s5, $0x1;
	s6 =	sadd.s32 s22, s4  }
0x1b: {  	[timem:s23], [sflag:s7] =	dma.local [hbm:s6], s5  }
0x1c: {  	_ =	swait.ge [sflag:s7], s5  }
0x1d: {  	s5 =	ssub.s32 $0x0, s5;
	[sflag:s7] =	ssyncset.done $0x0  }
0x1e: {  	[sflag:s7] =	ssyncadd.s32 s5;
	_ =	sdelay $0x1  }
0x1f: {  	s24 =	simm.s32 $0x1B8B  }
0x20: {  	_ =	swait.ge [sflag:s24], $0x1  }
0x21: {  	[sflag:s24] =	ssyncset.done $0x0  }
0x22: {  	[sflag:s24] =	ssyncadd.s32 $0xFFFFFFFF  }
0x23: {  	s5 =	sld [smem:$0x0]  }
0x24: {  	s6 =	sand.u32 $0xFFFFFFFE, s1  }
0x25: {  	p0 =	sne.s32 s1, s6  }
0x26: {  	s6 =	sshll.u32 @p0 s6, $0xE  }
0x27: {  	s6 =	sadd.s32 @p0 $0x11B8D, s6;
	s7 =	sshll.u32 @p0 s5, $0x11  }
0x28: {  	s6 =	sor.u32 @p0 s7, s6  }
0x29: {  	[sflag:s6] =	ssyncadd.remote.s32 @p0 $0x1;
	_ =	sdelay $0x1  }
0x2a: {  	s6 =	simm.s32 @p0 $0x1B8D  }
0x2b: {  	_ =	swait.eq @p0 [sflag:s6], $0x1  }
0x2c: {  	[sflag:s6] =	ssyncadd.s32 @p0 $0xFFFFFFFF  }
0x2d: {  	s7 =	sshll.u32 @!p0 s1, $0xE  }
0x2e: {  	s7 =	sor.u32 @!p0 $0x4000, s7;
	s6 =	simm.s32 @!p0 $0x1B8D  }
0x2f: {  	s5 =	sshll.u32 @!p0 s5, $0x11;
	s7 =	sadd.s32 @!p0 $0x11B8D, s7;
	_ =	swait.eq @!p0 [sflag:s6], $0x1  }
0x30: {  	s5 =	sor.u32 @!p0 s5, s7;
	[sflag:s6] =	ssyncadd.s32 @!p0 $0xFFFFFFFF  }
0x31: {  	s26 =	simm.s32 $0x1B8E;
	s25 =	sld [smem:$0x3FFE];
	[sflag:s5] =	ssyncadd.remote.s32 @!p0 $0x1  }
0x32: {  	s27 =	simm.s32 $execute0_lowered;
	[smem:$0x3FD2] =	sst s26  }
0x33: {  	s6 =	sshll.u32 s27, $0x1;
	_ =	strace $0x80000049;
	[dreg:$0x1] =	wrdreg $0xFFFFFFFF  }
0x34: {  	s28 =	simm.s32 $_size_execute0_lowered;
	s4 =	sadd.s32 s4, s6;
	[dreg:$0x0] =	wrdreg $0x0  }
0x35: {  	s6 =	sshll.u32 s28, $0x1;
	[dreg:$0x2] =	wrdreg s4  }
0x36: {  	[dreg:$0x3] =	wrdreg s6  }
0x37: {  	[dreg:$0x4] =	wrdreg $0xC0  }
0x38: {  	_ =	task [dreg:s23], $0x5FFFF  }
0x39: {  	[dreg:$0x1] =	wrdreg $0xFFFFFFFF  }
0x3a: {  	[dreg:$0x0] =	wrdreg $0x60  }
0x3b: {  	[dreg:$0x2] =	wrdreg s25  }
0x3c: {  	[dreg:$0x3] =	wrdreg s18  }
0x3d: {  	[dreg:$0x4] =	wrdreg $0x9  }
0x3e: {  	_ =	task.clear_ibuf [dreg:s23], $0x5FFFF;
	_ =	strace $0x90000049  }
0x3f: {  	s29 =	simm.s32 $0x9;
	_ =	strace $0x8000004B  }
0x40: {  	_ =	swait.ge [sflag:s29], $0x1  }
0x41: {  	[sflag:s29] =	ssyncadd.s32 $0xFFFFFFFF  }
0x42: {  	_ =	strace $0x9000004B  }
0x43: {  	_ =	sfence  }
0x44: {  	s30 =	sld [smem:$0x0];
	_ =	sdelay $0x2  }
0x45: {  	s31 =	sshll.u32 s1, $0xD;
	s1 =	sshrl.u32 s1, $0x2  }
0x46: {  	s4 =	sand.u32 $0x4000, s31;
	s1 =	sadd.s32 s1, s30  }
0x47: {  	s0 =	sor.u32 s4, s0;
	s1 =	sshll.u32 s1, $0x11  }
0x48: {  	s0 =	sor.u32 s1, s0  }
0x49: {  	s0 =	sadd.s32 $0x8F2B, s0  }
0x4a: {  	[sflag:s0] =	ssyncadd.remote.s32 $0x1  }
0x4b: {  	_ =	sfence.sel $0xFFFF  }
0x4c: {  	[dreg:$0x0] =	wrdreg $0xFFFFFFFF;
	(pc) =	sbr.abs _section_cstart, $3  }
0x4d: {  	[dreg:$0x1] =	wrdreg $0xFFFFFFFF  }
0x4e: {  	_ =	task.clear_ibuf [dreg:s23], $0x2FFFF;
	_ =	strace $0x9FFFFFFF  }
0x4f: {  	(tm) =	ssettm $0x7FFFFFFF  }
tec
execute0_lowered:
.L_overlay_start_1:
0x0: {  	(tag) =	ssettag $0x1  }
0x1: {  	s0 =	stileid.u32;
	s1 =	srdreg.scid  }
0x2: {  	s5 =	rddreg [dreg:$0x0];
	s2 =	sshll.u32 s0, $0x5;
	s1 =	sshll.u32 s1, $0x9  }
0x3: {  	s3 =	rddreg [dreg:$0x1];
	s1 =	sor.u32 s2, s1  }
0x4: {  	s6 =	simm.s32 $0x1;
	s8 =	simm.s32 $0x2;
	s2 =	sand.u32 $0x380, s1  }
0x5: {  	s13 =	simm.s32 $0x0;
	s9 =	simm.s32 $0x80;
	s4 =	ssub.s32 $0x400, s2  }
0x6: {  	s10 =	simm.s32 $0x6400;
	s14 =	simm.s32 $0x0;
	s31 =	sand.u32 $0x380, s4  }
0x7: {  	s12 =	simm.s32 $0x0;
	s1 =	rddreg [dreg:$0x2];
	p0 =	sne.s32 s31, $0x0  }
.Ltmp0:
0x8: {  	s4 =	sshrl.u32 s4, $0xA;
	s6 =	simm.s32 @!p0 $0x0;
	(pc) =	sbr.rel .LBB1_1-.Ltmp0, $4  }
0x9: {  	_ =	strace $0x8000004A;
	s7 =	sadd.s32 s2, s5;
	s6 =	sadd.s32 s6, s4  }
0xa: {  	s7 =	sadd.s32 $0xC9200, s7;
	s4 =	simm.s32 $0x1;
	s5 =	smul.u32 $0x32, s6  }
0xb: {  	p0 =	por $0x0, $0x0;
	s6 =	sand.u32 $0x3, s0;
	[sflag:s4] =	ssyncpa.u1 $0x0  }
0xc: {  	[sflag:s8] =	ssyncpa.u1 $0x0;
	s11 =	smov.u32 s6;
	s8 =	sor.u32 $0x1, s5  }
.LBB1_4:
0xd: {  	v5 =	vld [tilespmem:s18+$0xFFFFFFD0];
	[tilespmem:s17+$0x2040 ss:$0x81] =	vst.msk $0xffff, v1  }
0xe: {  	v58 =	vld [tilespmem:s18+$0xFFFFFFE0];
	[tilespmem:s17+$0x2850 ss:$0x81] =	vst.msk $0xffff, v2  }
0xf: {  	s19 =	sshra.s32 s19, $0x2;
	v59 =	vld [tilespmem:s18+$0xFFFFFFF0];
	[tilespmem:s17+$0x3060 ss:$0x81] =	vst.msk $0xffff, v3  }
0x10: {  	v60 =	vld [tilespmem:s18+$0x0];
	[tilespmem:s17+$0x0 ss:$0x81] =	vst.msk $0xffff, v0;
	s16 =	sadd.s32 s19, s16  }
0x11: {  	v61 =	vld [tilespmem:s18+$0x10];
	s14 =	sand.u32 $0x1FFFFFF, s14;
	[tilespmem:s16+$0x3870 ss:$0x81] =	vst.msk $0xffff, v4  }
0x12: {  	v62 =	vld [tilespmem:s18+$0x20];
	s31 =	smulhi.u32 $0x147AE15, s14;
	[tilespmem:s16+$0x810 ss:$0x81] =	vst.msk $0xffff, v5  }
0x13: {  	v63 =	vld [tilespmem:s18+$0xFFFFFFC0];
	[tilespmem:s16+$0x1020 ss:$0x81] =	vst.msk $0xffff, v58  }
0x14: {  	s17 =	smul.u32 $0xC8, s31;
	[tilespmem:s16+$0x1830 ss:$0x81] =	vst.msk $0xffff, v59  }
0x15: {  	s13 =	smul.u32 $0xC80, s13;
	[tilespmem:s16+$0x2040 ss:$0x81] =	vst.msk $0xffff, v60  }
0x16: {  	[tilespmem:s16+$0x2850 ss:$0x81] =	vst.msk $0xffff, v61;
	s14 =	ssub.s32 s14, s17  }
0x17: {  	s13 =	sadd.s32 s3, s13;
	[tilespmem:s16+$0x3060 ss:$0x81] =	vst.msk $0xffff, v62;
	s14 =	sshll.u32 s14, $0x4  }
0x18: {  	[tilespmem:s16+$0x0 ss:$0x81] =	vst.msk $0xffff, v63;
	s13 =	sadd.s32 s14, s13  }
0x19: {  	[hbm4b:s13+s9] =	stream.strided.scatter [tilespmem:s15], [sflag:$0x2], $0x4000, s10, s9, $0x20;
	[tilespmem:$0x10100] =	vst v63  }
.LBB1_5:
0x1a: {  	s15 =	sadd.s32 $0x4, s11  }
0x1b: {  	p2 =	sgt.s32 s15, $0xC7  }
0x1c: {  	s15 =	smov.u32 @p2 s6;
	p2 =	sne.s32 s12, s8  }
.Ltmp1:
0x1d: {  	p1 =	slt.u32 s12, $0x2;
	(pc) =	sbr.rel @!p2 .LBB1_6-.Ltmp1, $4  }
0x1e: {  	s13 =	simm.s32 @!p1 $0x2  }
0x1f: {  	s16 =	sadd.s32 $0x1, s12;
	s14 =	smov.u32 s11;
	_ =	swait.ge @!p1 [sflag:s13], $0x4000  }
0x20: {  	p0 =	por !p0, !p0;
	s12 =	smov.u32 s16;
	[sflag:s13] =	ssyncset.done @!p1 $0x0  }
0x21: {  	s11 =	smov.u32 s15;
	[sflag:s13] =	ssyncadd.s32 @!p1 $0xFFFFC000;
	s13 =	smov.u32 s2  }
.LBB1_1:
0x22: {  	p1 =	sge.u32 s12, s5  }
0x23: {  	s31 =	sadd.s32 $0xFFFFFFFF, s12;
	s15 =	sxor.u32 @!p1 $0xFFFFFFFF, s12  }
0x24: {  	s16 =	sshll.u32 @!p1 s11, $0xE;
	s17 =	simm.s32 @!p1 $0x400;
	s15 =	sshll.u32 @!p1 s15, $0xE  }
0x25: {  	s18 =	simm.s32 @!p1 $0x2000;
	s16 =	sadd.s32 @!p1 s16, s7;
	s15 =	sand.u32 @!p1 $0x4000, s15  }
0x26: {  	[tilespmem:s15], [sflag:$0x1] =	stream.strided.gather @!p1 [hbm4b:s16+s17], $0x4000, s18, s17, $0x38;
	[tilespmem:$0x10100] =	vst v63  }
0x27: {  	p1 =	sge.u32 s31, s5  }
.Ltmp2:
0x28: {  	_ = 	snop;
	(pc) =	sbr.rel @p1 .LBB1_5-.Ltmp2, $1  }
0x29: {  	_ =	sdelay $0x3  }
0x2a: {  	s15 =	simm.s32 $0x1  }
0x2b: {  	_ =	swait.ge [sflag:s4], $0x4000;
	s15 =	simm.s32 @!p0 $0x0  }
0x2c: {  	[sflag:s4] =	ssyncset.done $0x0;
	s16 =	sshll.u32 s15, $0xE  }
0x2d: {  	[sflag:s4] =	ssyncadd.s32 $0xFFFFC000;
	s18 =	sor.u32 $0x40, s16  }
0x2e: {  	s15 =	smul.u32 $0x10200, s15;
	v0 =	vld [tilespmem:s18+$0x30]  }
0x2f: {  	v3 =	vld [tilespmem:s18+$0xFFFFFFD0]  }
0x30: {  	s15 =	sshrl.u32 s15, $0x2;
	v4 =	vld [tilespmem:s18+$0xFFFFFFE0]  }
0x31: {  	v5 =	vld [tilespmem:s18+$0xFFFFFFF0];
	s16 =	sor.u32 $0x8000, s15  }
0x32: {  	s31 =	sand.u32 $0x1, s12;
	v1 =	vld [tilespmem:s18+$0x0];
	s17 =	sadd.s32 $0x0, s16  }
0x33: {  	v2 =	vld [tilespmem:s18+$0x10];
	s15 =	smul.u32 $0x10200, s31;
	[tilespmem:s17+$0x3870 ss:$0x81] =	vst.msk $0xffff, v0  }
0x34: {  	[tilespmem:s17+$0x810 ss:$0x81] =	vst.msk $0xffff, v3;
	v3 =	vld [tilespmem:s18+$0x20]  }
0x35: {  	s15 =	sshrl.u32 s15, $0x2;
	v0 =	vld [tilespmem:s18+$0xFFFFFFC0];
	[tilespmem:s17+$0x1020 ss:$0x81] =	vst.msk $0xffff, v4;
	s18 =	sadd.s32 $0x80, s18  }
0x36: {  	s19 =	simm.s32 $0x4;
	s20 =	simm.s32 $0x8;
	s15 =	sor.u32 $0x8000, s15;
	[tilespmem:s17+$0x1830 ss:$0x81] =	vst.msk $0xffff, v5;
	v4 =	vld [tilespmem:s18+$0x30]  }
.LBB1_3:
0x37: {  	p1 =	sne.s32 s20, $0x1FC;
	v5 =	vld [tilespmem:s18+$0xFFFFFFD0];
	[tilespmem:s17+$0x2040 ss:$0x81] =	vst.msk $0xffff, v1  }
0x38: {  	v6 =	vld [tilespmem:s18+$0xFFFFFFE0];
	[tilespmem:s17+$0x2850 ss:$0x81] =	vst.msk $0xffff, v2  }
0x39: {  	s21 =	sshra.s32 s19, $0x2;
	s19 =	smov.u32 s20;
	v7 =	vld [tilespmem:s18+$0xFFFFFFF0];
	[tilespmem:s17+$0x3060 ss:$0x81] =	vst.msk $0xffff, v3  }
.Ltmp3:
0x3a: {  	v1 =	vld [tilespmem:s18+$0x0];
	[tilespmem:s17+$0x0 ss:$0x81] =	vst.msk $0xffff, v0;
	s17 =	sadd.s32 s21, s16;
	(pc) =	sbr.rel @p1 .LBB1_3-.Ltmp3, $4  }
0x3b: {  	v2 =	vld [tilespmem:s18+$0x10];
	[tilespmem:s17+$0x3870 ss:$0x81] =	vst.msk $0xffff, v4  }
0x3c: {  	[tilespmem:s17+$0x810 ss:$0x81] =	vst.msk $0xffff, v5;
	v3 =	vld [tilespmem:s18+$0x20]  }
0x3d: {  	v0 =	vld [tilespmem:s18+$0xFFFFFFC0];
	[tilespmem:s17+$0x1020 ss:$0x81] =	vst.msk $0xffff, v6;
	s18 =	sadd.s32 $0x80, s18  }
0x3e: {  	s20 =	sadd.s32 $0x4, s20;
	v4 =	vld [tilespmem:s18+$0x30];
	[tilespmem:s17+$0x1830 ss:$0x81] =	vst.msk $0xffff, v7  }
.Ltmp4:
0x3f: {  	_ = 	snop;
	(pc) =	sbr.rel .LBB1_4-.Ltmp4, $1  }
0x40: {  	_ =	sdelay $0x3  }
.LBB1_6:
0x41: {  	_ =	sfence.sel $0x180000  }
0x42: {  	s2 =	simm.s32 $0x1;
	[bflag:$0x0] =	sbarrier.arrive $0xFFFF  }
0x43: {  	s31 =	simm.s32 $0x2;
	[sflag:s2] =	ssyncpa.u1 $0x1  }
0x44: {  	[sflag:s31] =	ssyncpa.u1 $0x1  }
0x45: {  	p0 =	sne.s32 s0, $0x0;
	_ =	strace $0x9000004A  }
0x46: {  	s0 =	sadd.s32 @!p0 $0x100000, s1;
	[bflag:$0x2] =	sbarrier.arrive $0xFFFF  }
0x47: {  	[sflag:s0] =	ssyncadd.tile.s32 @!p0 $0x1;
	_ =	shalt  }
.Lfunc_end1:
_tile_overlayer_lowered:
.L_overlay_start_2:
0x48: {  	(tag) =	ssettag $0x2  }
0x49: {  	s0 =	rddreg [dreg:$0x0];
	s2 =	stileid.u32  }
0x4a: {  	s1 =	rddreg [dreg:$0x1];
	p0 =	sne.s32 s2, $0x0  }
0x4b: {  	s3 =	rddreg [dreg:$0x2];
	[bflag:$0x3] =	sbarrier.arrive $0xFFFF;
	s2 =	simm.s32 @!p0 $0x1C01  }
0x4c: {  	[timem:s3], [sflag:s2] =	dma.local @!p0 [hbm:s0], s1  }
0x4d: {  	s0 =	simm.s32 @!p0 $0x1  }
0x4e: {  	_ =	swait.ge @!p0 [sflag:s0], s1  }
0x4f: {  	s1 =	ssub.s32 @!p0 $0x0, s1;
	[sflag:s0] =	ssyncset.done @!p0 $0x0  }
0x50: {  	[sflag:s0] =	ssyncadd.s32 @!p0 s1  }
0x51: {  	[bflag:$0x3] =	sbarrier.arrive $0xFFFF  }
0x52: {  	_ =	shalt  }

</sc_bundles>
